<compile_context>
chip_gen: v7x
topology: tpu7x:2x2x1
jax: 0.10.2.dev20260603
libtpu: 0.0.44.dev20260713+nightly
codegen_flags: <defaults>
</compile_context>

<pallas_src>
import functools

import jax
import jax.numpy as jnp
from jax import lax
from jax.experimental import pallas as pl
from jax.experimental.pallas import tpu as pltpu
from jax.experimental.pallas import tpu_sc as plsc

NUM_EMBEDDINGS = 1000000
EMBEDDING_DIM = 16
BATCH = 16384

_NC = 2
_NS = 16
_NW = _NC * _NS
_BPW = BATCH // _NW
_G = 16
_NGRP = _BPW // _G


def _gather_body(tt_hbm, idx_hbm, ot_hbm, idx_v, out_v, blk_a, blk_b,
                 sem_a, sem_b):
    wid = lax.axis_index("s") * _NC + lax.axis_index("c")
    pltpu.sync_copy(idx_hbm.at[pl.ds(wid * _BPW, _BPW)], idx_v)

    lanes = lax.iota(jnp.int32, 16)

    def fire(g, buf, sem):
        idx16 = idx_v[pl.ds(g * _G, _G)]
        copies = []
        for j in range(_G):
            blk0 = pl.multiple_of((idx16[j] >> 7) << 7, 128)
            copies.append(
                pltpu.async_copy(
                    tt_hbm.at[:, pl.ds(blk0, 128)],
                    buf.at[:, pl.ds(j * 128, 128)],
                    sem,
                )
            )
        return idx16, copies

    def extract(g, idx16, buf, copies):
        for c in copies:
            c.wait()
        colv = (idx16 & 127) + lanes * 128
        posv = g * _G + lanes
        for d in range(EMBEDDING_DIM):
            dv = jnp.broadcast_to(d, (16,))
            vals = plsc.load_gather(buf, [dv, colv])
            plsc.store_scatter(out_v, [dv, posv], vals)

    def pair(i, carry):
        ga = i * 2
        idx_a, cp_a = fire(ga, blk_a, sem_a)
        idx_b, cp_b = fire(ga + 1, blk_b, sem_b)
        extract(ga, idx_a, blk_a, cp_a)
        extract(ga + 1, idx_b, blk_b, cp_b)
        return carry

    lax.fori_loop(0, _NGRP // 2, pair, 0)

    pltpu.sync_copy(out_v, ot_hbm.at[:, pl.ds(wid * _BPW, _BPW)])


_mesh = plsc.VectorSubcoreMesh(core_axis_name="c", subcore_axis_name="s")

_gather_call = functools.partial(
    pl.kernel,
    out_type=jax.ShapeDtypeStruct((EMBEDDING_DIM, BATCH), jnp.float32),
    mesh=_mesh,
    scratch_types=[
        pltpu.VMEM((_BPW,), jnp.int32),
        pltpu.VMEM((EMBEDDING_DIM, _BPW), jnp.float32),
        pltpu.VMEM((EMBEDDING_DIM, _G * 128), jnp.float32),
        pltpu.VMEM((EMBEDDING_DIM, _G * 128), jnp.float32),
        pltpu.SemaphoreType.DMA,
        pltpu.SemaphoreType.DMA,
    ],
    compiler_params=pltpu.CompilerParams(needs_layout_passes=False),
)(_gather_body)


def kernel(indices, table):
    idx = jnp.asarray(indices, jnp.int32)
    return _gather_call(table.T, idx).T

# --- scband reference (transcript-rebuilt; emitter-appended) ---
"""Pipeline reference for scband-optimized-hash-embedding-49752901157242 (READ-ONLY COPY).

The authoritative reference and input builder live on the scoring server;
editing this copy changes nothing except your own understanding.
"""

import jax, jax.numpy as jnp
import numpy as np

NUM_EMBEDDINGS = 1000000
EMBEDDING_DIM = 16
BATCH = 16384

def setup_inputs(seed: int = 0) -> dict:
    key = jax.random.key(seed)
    k_idx, k_tab = jax.random.split(key)
    indices = jax.random.randint(k_idx, (BATCH,), 0, NUM_EMBEDDINGS, dtype=jnp.int64 if jax.config.jax_enable_x64 else jnp.int32)
    table = jax.random.normal(k_tab, (NUM_EMBEDDINGS, EMBEDDING_DIM), dtype=jnp.float32)
    return {"indices": indices, "table": table}

def reference(indices, table):
    # OptimizedHashEmbedding.forward: words are hashed to indices (precomputed here),
    # then a plain embedding lookup (gather) is performed.
    return jnp.take(table, indices, axis=0)

if __name__ == "__main__":
    import jax
    _d = setup_inputs()
    print(jax.jit(kernel)(*tuple(_d.values())))

</pallas_src>

<mosaic_0001>
#map = affine_map<(d0, d1) -> (0, 0)>
#map1 = affine_map<(d0, d1) -> (0)>
module attributes {stable_mosaic.version = 14 : i64} {
  func.func @_gather_body(%arg0: i32, %arg1: i32, %arg2: memref<16x1000000xf32, #tpu.memory_space<hbm>>, %arg3: memref<16384xi32, #tpu.memory_space<hbm>>, %arg4: memref<16x16384xf32, #tpu.memory_space<hbm>>, %arg5: memref<512xi32, #tpu.memory_space<vmem>>, %arg6: memref<16x512xf32, #tpu.memory_space<vmem>>, %arg7: memref<16x2048xf32, #tpu.memory_space<vmem>>, %arg8: memref<16x2048xf32, #tpu.memory_space<vmem>>, %arg9: memref<!tpu.dma_semaphore, #tpu.memory_space<semaphore_mem>>, %arg10: memref<!tpu.dma_semaphore, #tpu.memory_space<semaphore_mem>>) attributes {dimension_semantics = [#tpu.dimension_semantics<core_parallel>, #tpu.dimension_semantics<subcore_parallel>], iteration_bounds = array<i64: 2, 16>, scalar_prefetch = 0 : i64, scratch_operands = 6 : i64, tpu.core_type = #tpu.core_type<sc_vector_subcore>, window_params = [{transform_indices = #map}, {transform_indices = #map1}, {transform_indices = #map}]} {
    %mul3A = arith.constant 2 : i32
    %mul3A_0 = arith.muli %arg1, %mul3A : i32
    %add3A = arith.addi %mul3A_0, %arg0 : i32
    %mul3A_1 = arith.constant 512 : i32
    %mul3A_2 = arith.muli %add3A, %mul3A_1 : i32
    "tpu.region"() ({
      %run_scoped3A = tpu.sem_alloc : memref<!tpu.dma_semaphore, #tpu.memory_space<semaphore_mem>>
      %dma_start3A = tpu.memref_slice %arg3[%mul3A_2] : memref<16384xi32, #tpu.memory_space<hbm>> -> memref<512xi32, #tpu.memory_space<hbm>>
      %dma_start3A_10 = tpu.memref_slice %arg3[%mul3A_2] : memref<16384xi32, #tpu.memory_space<hbm>> -> memref<512xi32, #tpu.memory_space<hbm>>
      tpu.enqueue_dma source(%dma_start3A_10 : memref<512xi32, #tpu.memory_space<hbm>>) target(%arg5 : memref<512xi32, #tpu.memory_space<vmem>>) target_semaphore(%run_scoped3A : memref<!tpu.dma_semaphore, #tpu.memory_space<semaphore_mem>>)
      %dma_wait3A = tpu.memref_slice %arg3[%mul3A_2] : memref<16384xi32, #tpu.memory_space<hbm>> -> memref<512xi32, #tpu.memory_space<hbm>>
      %dma_wait3A_11 = tpu.memref_slice %arg3[%mul3A_2] : memref<16384xi32, #tpu.memory_space<hbm>> -> memref<512xi32, #tpu.memory_space<hbm>>
      tpu.wait_dma2 semaphore(%run_scoped3A : memref<!tpu.dma_semaphore, #tpu.memory_space<semaphore_mem>>) src(%dma_wait3A_11 : memref<512xi32, #tpu.memory_space<hbm>>) dst(%arg5 : memref<512xi32, #tpu.memory_space<vmem>>)
      tpu.yield
    }) : () -> ()
    %iota3A = tpu.iota {dimensions = array<i32: 0>} : vector<16xi32>
    %scan3A = arith.constant 0 : i32
    %scan3A_3 = arith.constant 0 : i32
    %scan3A_4 = arith.constant 16 : i32
    %scan3A_5 = arith.addi %scan3A_3, %scan3A_4 : i32
    %scan3A_6 = arith.constant 1 : i32
    scf.for %scan3A_10 = %scan3A_3 to %scan3A_5 step %scan3A_6  : i32 {
      %mul3A_11 = arith.constant 2 : i32
      %mul3A_12 = arith.muli %scan3A_10, %mul3A_11 : i32
      %mul3A_13 = arith.constant 16 : i32
      %mul3A_14 = arith.muli %mul3A_12, %mul3A_13 : i32
      %get3A = arith.index_cast %mul3A_14 : i32 to index
      %get3A_15 = tpu.vector_load %arg5[%get3A] {strides = array<i32>} : memref<512xi32, #tpu.memory_space<vmem>>, vector<16xi32>,
      %slice3A = vector.extract_strided_slice %get3A_15 {offsets = [0], sizes = [1], strides = [1]} : vector<16xi32> to vector<1xi32>
      %squeeze3A = vector.extract %slice3A[0] : i32 from vector<1xi32>
      %shift_right_arithmetic3A = arith.constant 7 : i32
      %shift_right_arithmetic3A_16 = arith.shrsi %squeeze3A, %shift_right_arithmetic3A : i32
      %shift_left3A = arith.constant 7 : i32
      %shift_left3A_17 = arith.shli %shift_right_arithmetic3A_16, %shift_left3A : i32
      %multiple_of3A = tpu.assume_multiple %shift_left3A_17, 128 : i32
      %dma_start3A = arith.constant 0 : i32
      %dma_start3A_18 = arith.constant 0 : i32
      %dma_start3A_19 = tpu.memref_slice %arg7[%dma_start3A, %dma_start3A_18] : memref<16x2048xf32, #tpu.memory_space<vmem>> -> memref<16x128xf32, #tpu.memory_space<vmem>>
      %dma_start3A_20 = arith.constant 0 : i32
      %dma_start3A_21 = tpu.memref_slice %arg2[%dma_start3A_20, %multiple_of3A] : memref<16x1000000xf32, #tpu.memory_space<hbm>> -> memref<16x128xf32, #tpu.memory_space<hbm>>
      %dma_start3A_22 = arith.constant 0 : i32
      %dma_start3A_23 = arith.constant 0 : i32
      %dma_start3A_24 = tpu.memref_slice %arg7[%dma_start3A_22, %dma_start3A_23] : memref<16x2048xf32, #tpu.memory_space<vmem>> -> memref<16x128xf32, #tpu.memory_space<vmem>>
      %dma_start3A_25 = arith.constant 0 : i32
      %dma_start3A_26 = tpu.memref_slice %arg2[%dma_start3A_25, %multiple_of3A] : memref<16x1000000xf32, #tpu.memory_space<hbm>> -> memref<16x128xf32, #tpu.memory_space<hbm>>
      tpu.enqueue_dma source(%dma_start3A_26 : memref<16x128xf32, #tpu.memory_space<hbm>>) target(%dma_start3A_24 : memref<16x128xf32, #tpu.memory_space<vmem>>) target_semaphore(%arg9 : memref<!tpu.dma_semaphore, #tpu.memory_space<semaphore_mem>>)
      %slice3A_27 = vector.extract_strided_slice %get3A_15 {offsets = [1], sizes = [1], strides = [1]} : vector<16xi32> to vector<1xi32>
      %squeeze3A_28 = vector.extract %slice3A_27[0] : i32 from vector<1xi32>
      %shift_right_arithmetic3A_29 = arith.constant 7 : i32
      %shift_right_arithmetic3A_30 = arith.shrsi %squeeze3A_28, %shift_right_arithmetic3A_29 : i32
      %shift_left3A_31 = arith.constant 7 : i32
      %shift_left3A_32 = arith.shli %shift_right_arithmetic3A_30, %shift_left3A_31 : i32
      %multiple_of3A_33 = tpu.assume_multiple %shift_left3A_32, 128 : i32
      %dma_start3A_34 = arith.constant 0 : i32
      %dma_start3A_35 = arith.constant 128 : i32
      %dma_start3A_36 = tpu.memref_slice %arg7[%dma_start3A_34, %dma_start3A_35] : memref<16x2048xf32, #tpu.memory_space<vmem>> -> memref<16x128xf32, #tpu.memory_space<vmem>>
      %dma_start3A_37 = arith.constant 0 : i32
      %dma_start3A_38 = tpu.memref_slice %arg2[%dma_start3A_37, %multiple_of3A_33] : memref<16x1000000xf32, #tpu.memory_space<hbm>> -> memref<16x128xf32, #tpu.memory_space<hbm>>
      %dma_start3A_39 = arith.constant 0 : i32
      %dma_start3A_40 = arith.constant 128 : i32
      %dma_start3A_41 = tpu.memref_slice %arg7[%dma_start3A_39, %dma_start3A_40] : memref<16x2048xf32, #tpu.memory_space<vmem>> -> memref<16x128xf32, #tpu.memory_space<vmem>>
      %dma_start3A_42 = arith.constant 0 : i32
      %dma_start3A_43 = tpu.memref_slice %arg2[%dma_start3A_42, %multiple_of3A_33] : memref<16x1000000xf32, #tpu.memory_space<hbm>> -> memref<16x128xf32, #tpu.memory_space<hbm>>
      tpu.enqueue_dma source(%dma_start3A_43 : memref<16x128xf32, #tpu.memory_space<hbm>>) target(%dma_start3A_41 : memref<16x128xf32, #tpu.memory_space<vmem>>) target_semaphore(%arg9 : memref<!tpu.dma_semaphore, #tpu.memory_space<semaphore_mem>>)
      %slice3A_44 = vector.extract_strided_slice %get3A_15 {offsets = [2], sizes = [1], strides = [1]} : vector<16xi32> to vector<1xi32>
      %squeeze3A_45 = vector.extract %slice3A_44[0] : i32 from vector<1xi32>
      %shift_right_arithmetic3A_46 = arith.constant 7 : i32
      %shift_right_arithmetic3A_47 = arith.shrsi %squeeze3A_45, %shift_right_arithmetic3A_46 : i32
      %shift_left3A_48 = arith.constant 7 : i32
      %shift_left3A_49 = arith.shli %shift_right_arithmetic3A_47, %shift_left3A_48 : i32
      %multiple_of3A_50 = tpu.assume_multiple %shift_left3A_49, 128 : i32
      %dma_start3A_51 = arith.constant 0 : i32
      %dma_start3A_52 = arith.constant 256 : i32
      %dma_start3A_53 = tpu.memref_slice %arg7[%dma_start3A_51, %dma_start3A_52] : memref<16x2048xf32, #tpu.memory_space<vmem>> -> memref<16x128xf32, #tpu.memory_space<vmem>>
      %dma_start3A_54 = arith.constant 0 : i32
      %dma_start3A_55 = tpu.memref_slice %arg2[%dma_start3A_54, %multiple_of3A_50] : memref<16x1000000xf32, #tpu.memory_space<hbm>> -> memref<16x128xf32, #tpu.memory_space<hbm>>
      %dma_start3A_56 = arith.constant 0 : i32
      %dma_start3A_57 = arith.constant 256 : i32
      %dma_start3A_58 = tpu.memref_slice %arg7[%dma_start3A_56, %dma_start3A_57] : memref<16x2048xf32, #tpu.memory_space<vmem>> -> memref<16x128xf32, #tpu.memory_space<vmem>>
      %dma_start3A_59 = arith.constant 0 : i32
      %dma_start3A_60 = tpu.memref_slice %arg2[%dma_start3A_59, %multiple_of3A_50] : memref<16x1000000xf32, #tpu.memory_space<hbm>> -> memref<16x128xf32, #tpu.memory_space<hbm>>
      tpu.enqueue_dma source(%dma_start3A_60 : memref<16x128xf32, #tpu.memory_space<hbm>>) target(%dma_start3A_58 : memref<16x128xf32, #tpu.memory_space<vmem>>) target_semaphore(%arg9 : memref<!tpu.dma_semaphore, #tpu.memory_space<semaphore_mem>>)
      %slice3A_61 = vector.extract_strided_slice %get3A_15 {offsets = [3], sizes = [1], strides = [1]} : vector<16xi32> to vector<1xi32>
      %squeeze3A_62 = vector.extract %slice3A_61[0] : i32 from vector<1xi32>
      %shift_right_arithmetic3A_63 = arith.constant 7 : i32
      %shift_right_arithmetic3A_64 = arith.shrsi %squeeze3A_62, %shift_right_arithmetic3A_63 : i32
      %shift_left3A_65 = arith.constant 7 : i32
      %shift_left3A_66 = arith.shli %shift_right_arithmetic3A_64, %shift_left3A_65 : i32
      %multiple_of3A_67 = tpu.assume_multiple %shift_left3A_66, 128 : i32
      %dma_start3A_68 = arith.constant 0 : i32
      %dma_start3A_69 = arith.constant 384 : i32
      %dma_start3A_70 = tpu.memref_slice %arg7[%dma_start3A_68, %dma_start3A_69] : memref<16x2048xf32, #tpu.memory_space<vmem>> -> memref<16x128xf32, #tpu.memory_space<vmem>>
      %dma_start3A_71 = arith.constant 0 : i32
      %dma_start3A_72 = tpu.memref_slice %arg2[%dma_start3A_71, %multiple_of3A_67] : memref<16x1000000xf32, #tpu.memory_space<hbm>> -> memref<16x128xf32, #tpu.memory_space<hbm>>
      %dma_start3A_73 = arith.constant 0 : i32
      %dma_start3A_74 = arith.constant 384 : i32
      %dma_start3A_75 = tpu.memref_slice %arg7[%dma_start3A_73, %dma_start3A_74] : memref<16x2048xf32, #tpu.memory_space<vmem>> -> memref<16x128xf32, #tpu.memory_space<vmem>>
      %dma_start3A_76 = arith.constant 0 : i32
      %dma_start3A_77 = tpu.memref_slice %arg2[%dma_start3A_76, %multiple_of3A_67] : memref<16x1000000xf32, #tpu.memory_space<hbm>> -> memref<16x128xf32, #tpu.memory_space<hbm>>
      tpu.enqueue_dma source(%dma_start3A_77 : memref<16x128xf32, #tpu.memory_space<hbm>>) target(%dma_start3A_75 : memref<16x128xf32, #tpu.memory_space<vmem>>) target_semaphore(%arg9 : memref<!tpu.dma_semaphore, #tpu.memory_space<semaphore_mem>>)
      %slice3A_78 = vector.extract_strided_slice %get3A_15 {offsets = [4], sizes = [1], strides = [1]} : vector<16xi32> to vector<1xi32>
      %squeeze3A_79 = vector.extract %slice3A_78[0] : i32 from vector<1xi32>
      %shift_right_arithmetic3A_80 = arith.constant 7 : i32
      %shift_right_arithmetic3A_81 = arith.shrsi %squeeze3A_79, %shift_right_arithmetic3A_80 : i32
      %shift_left3A_82 = arith.constant 7 : i32
      %shift_left3A_83 = arith.shli %shift_right_arithmetic3A_81, %shift_left3A_82 : i32
      %multiple_of3A_84 = tpu.assume_multiple %shift_left3A_83, 128 : i32
      %dma_start3A_85 = arith.constant 0 : i32
      %dma_start3A_86 = arith.constant 512 : i32
      %dma_start3A_87 = tpu.memref_slice %arg7[%dma_start3A_85, %dma_start3A_86] : memref<16x2048xf32, #tpu.memory_space<vmem>> -> memref<16x128xf32, #tpu.memory_space<vmem>>
      %dma_start3A_88 = arith.constant 0 : i32
      %dma_start3A_89 = tpu.memref_slice %arg2[%dma_start3A_88, %multiple_of3A_84] : memref<16x1000000xf32, #tpu.memory_space<hbm>> -> memref<16x128xf32, #tpu.memory_space<hbm>>
      %dma_start3A_90 = arith.constant 0 : i32
      %dma_start3A_91 = arith.constant 512 : i32
      %dma_start3A_92 = tpu.memref_slice %arg7[%dma_start3A_90, %dma_start3A_91] : memref<16x2048xf32, #tpu.memory_space<vmem>> -> memref<16x128xf32, #tpu.memory_space<vmem>>
      %dma_start3A_93 = arith.constant 0 : i32
      %dma_start3A_94 = tpu.memref_slice %arg2[%dma_start3A_93, %multiple_of3A_84] : memref<16x1000000xf32, #tpu.memory_space<hbm>> -> memref<16x128xf32, #tpu.memory_space<hbm>>
      tpu.enqueue_dma source(%dma_start3A_94 : memref<16x128xf32, #tpu.memory_space<hbm>>) target(%dma_start3A_92 : memref<16x128xf32, #tpu.memory_space<vmem>>) target_semaphore(%arg9 : memref<!tpu.dma_semaphore, #tpu.memory_space<semaphore_mem>>)
      %slice3A_95 = vector.extract_strided_slice %get3A_15 {offsets = [5], sizes = [1], strides = [1]} : vector<16xi32> to vector<1xi32>
      %squeeze3A_96 = vector.extract %slice3A_95[0] : i32 from vector<1xi32>
      %shift_right_arithmetic3A_97 = arith.constant 7 : i32
      %shift_right_arithmetic3A_98 = arith.shrsi %squeeze3A_96, %shift_right_arithmetic3A_97 : i32
      %shift_left3A_99 = arith.constant 7 : i32
      %shift_left3A_100 = arith.shli %shift_right_arithmetic3A_98, %shift_left3A_99 : i32
      %multiple_of3A_101 = tpu.assume_multiple %shift_left3A_100, 128 : i32
      %dma_start3A_102 = arith.constant 0 : i32
      %dma_start3A_103 = arith.constant 640 : i32
      %dma_start3A_104 = tpu.memref_slice %arg7[%dma_start3A_102, %dma_start3A_103] : memref<16x2048xf32, #tpu.memory_space<vmem>> -> memref<16x128xf32, #tpu.memory_space<vmem>>
      %dma_start3A_105 = arith.constant 0 : i32
      %dma_start3A_106 = tpu.memref_slice %arg2[%dma_start3A_105, %multiple_of3A_101] : memref<16x1000000xf32, #tpu.memory_space<hbm>> -> memref<16x128xf32, #tpu.memory_space<hbm>>
      %dma_start3A_107 = arith.constant 0 : i32
      %dma_start3A_108 = arith.constant 640 : i32
      %dma_start3A_109 = tpu.memref_slice %arg7[%dma_start3A_107, %dma_start3A_108] : memref<16x2048xf32, #tpu.memory_space<vmem>> -> memref<16x128xf32, #tpu.memory_space<vmem>>
      %dma_start3A_110 = arith.constant 0 : i32
      %dma_start3A_111 = tpu.memref_slice %arg2[%dma_start3A_110, %multiple_of3A_101] : memref<16x1000000xf32, #tpu.memory_space<hbm>> -> memref<16x128xf32, #tpu.memory_space<hbm>>
      tpu.enqueue_dma source(%dma_start3A_111 : memref<16x128xf32, #tpu.memory_space<hbm>>) target(%dma_start3A_109 : memref<16x128xf32, #tpu.memory_space<vmem>>) target_semaphore(%arg9 : memref<!tpu.dma_semaphore, #tpu.memory_space<semaphore_mem>>)
      %slice3A_112 = vector.extract_strided_slice %get3A_15 {offsets = [6], sizes = [1], strides = [1]} : vector<16xi32> to vector<1xi32>
      %squeeze3A_113 = vector.extract %slice3A_112[0] : i32 from vector<1xi32>
      %shift_right_arithmetic3A_114 = arith.constant 7 : i32
      %shift_right_arithmetic3A_115 = arith.shrsi %squeeze3A_113, %shift_right_arithmetic3A_114 : i32
      %shift_left3A_116 = arith.constant 7 : i32
      %shift_left3A_117 = arith.shli %shift_right_arithmetic3A_115, %shift_left3A_116 : i32
      %multiple_of3A_118 = tpu.assume_multiple %shift_left3A_117, 128 : i32
      %dma_start3A_119 = arith.constant 0 : i32
      %dma_start3A_120 = arith.constant 768 : i32
      %dma_start3A_121 = tpu.memref_slice %arg7[%dma_start3A_119, %dma_start3A_120] : memref<16x2048xf32, #tpu.memory_space<vmem>> -> memref<16x128xf32, #tpu.memory_space<vmem>>
      %dma_start3A_122 = arith.constant 0 : i32
      %dma_start3A_123 = tpu.memref_slice %arg2[%dma_start3A_122, %multiple_of3A_118] : memref<16x1000000xf32, #tpu.memory_space<hbm>> -> memref<16x128xf32, #tpu.memory_space<hbm>>
      %dma_start3A_124 = arith.constant 0 : i32
      %dma_start3A_125 = arith.constant 768 : i32
      %dma_start3A_126 = tpu.memref_slice %arg7[%dma_start3A_124, %dma_start3A_125] : memref<16x2048xf32, #tpu.memory_space<vmem>> -> memref<16x128xf32, #tpu.memory_space<vmem>>
      %dma_start3A_127 = arith.constant 0 : i32
      %dma_start3A_128 = tpu.memref_slice %arg2[%dma_start3A_127, %multiple_of3A_118] : memref<16x1000000xf32, #tpu.memory_space<hbm>> -> memref<16x128xf32, #tpu.memory_space<hbm>>
      tpu.enqueue_dma source(%dma_start3A_128 : memref<16x128xf32, #tpu.memory_space<hbm>>) target(%dma_start3A_126 : memref<16x128xf32, #tpu.memory_space<vmem>>) target_semaphore(%arg9 : memref<!tpu.dma_semaphore, #tpu.memory_space<semaphore_mem>>)
      %slice3A_129 = vector.extract_strided_slice %get3A_15 {offsets = [7], sizes = [1], strides = [1]} : vector<16xi32> to vector<1xi32>
      %squeeze3A_130 = vector.extract %slice3A_129[0] : i32 from vector<1xi32>
      %shift_right_arithmetic3A_131 = arith.constant 7 : i32
      %shift_right_arithmetic3A_132 = arith.shrsi %squeeze3A_130, %shift_right_arithmetic3A_131 : i32
      %shift_left3A_133 = arith.constant 7 : i32
      %shift_left3A_134 = arith.shli %shift_right_arithmetic3A_132, %shift_left3A_133 : i32
      %multiple_of3A_135 = tpu.assume_multiple %shift_left3A_134, 128 : i32
      %dma_start3A_136 = arith.constant 0 : i32
      %dma_start3A_137 = arith.constant 896 : i32
      %dma_start3A_138 = tpu.memref_slice %arg7[%dma_start3A_136, %dma_start3A_137] : memref<16x2048xf32, #tpu.memory_space<vmem>> -> memref<16x128xf32, #tpu.memory_space<vmem>>
      %dma_start3A_139 = arith.constant 0 : i32
      %dma_start3A_140 = tpu.memref_slice %arg2[%dma_start3A_139, %multiple_of3A_135] : memref<16x1000000xf32, #tpu.memory_space<hbm>> -> memref<16x128xf32, #tpu.memory_space<hbm>>
      %dma_start3A_141 = arith.constant 0 : i32
      %dma_start3A_142 = arith.constant 896 : i32
      %dma_start3A_143 = tpu.memref_slice %arg7[%dma_start3A_141, %dma_start3A_142] : memref<16x2048xf32, #tpu.memory_space<vmem>> -> memref<16x128xf32, #tpu.memory_space<vmem>>
      %dma_start3A_144 = arith.constant 0 : i32
      %dma_start3A_145 = tpu.memref_slice %arg2[%dma_start3A_144, %multiple_of3A_135] : memref<16x1000000xf32, #tpu.memory_space<hbm>> -> memref<16x128xf32, #tpu.memory_space<hbm>>
      tpu.enqueue_dma source(%dma_start3A_145 : memref<16x128xf32, #tpu.memory_space<hbm>>) target(%dma_start3A_143 : memref<16x128xf32, #tpu.memory_space<vmem>>) target_semaphore(%arg9 : memref<!tpu.dma_semaphore, #tpu.memory_space<semaphore_mem>>)
      %slice3A_146 = vector.extract_strided_slice %get3A_15 {offsets = [8], sizes = [1], strides = [1]} : vector<16xi32> to vector<1xi32>
      %squeeze3A_147 = vector.extract %slice3A_146[0] : i32 from vector<1xi32>
      %shift_right_arithmetic3A_148 = arith.constant 7 : i32
      %shift_right_arithmetic3A_149 = arith.shrsi %squeeze3A_147, %shift_right_arithmetic3A_148 : i32
      %shift_left3A_150 = arith.constant 7 : i32
      %shift_left3A_151 = arith.shli %shift_right_arithmetic3A_149, %shift_left3A_150 : i32
      %multiple_of3A_152 = tpu.assume_multiple %shift_left3A_151, 128 : i32
      %dma_start3A_153 = arith.constant 0 : i32
      %dma_start3A_154 = arith.constant 1024 : i32
      %dma_start3A_155 = tpu.memref_slice %arg7[%dma_start3A_153, %dma_start3A_154] : memref<16x2048xf32, #tpu.memory_space<vmem>> -> memref<16x128xf32, #tpu.memory_space<vmem>>
      %dma_start3A_156 = arith.constant 0 : i32
      %dma_start3A_157 = tpu.memref_slice %arg2[%dma_start3A_156, %multiple_of3A_152] : memref<16x1000000xf32, #tpu.memory_space<hbm>> -> memref<16x128xf32, #tpu.memory_space<hbm>>
      %dma_start3A_158 = arith.constant 0 : i32
      %dma_start3A_159 = arith.constant 1024 : i32
      %dma_start3A_160 = tpu.memref_slice %arg7[%dma_start3A_158, %dma_start3A_159] : memref<16x2048xf32, #tpu.memory_space<vmem>> -> memref<16x128xf32, #tpu.memory_space<vmem>>
      %dma_start3A_161 = arith.constant 0 : i32
      %dma_start3A_162 = tpu.memref_slice %arg2[%dma_start3A_161, %multiple_of3A_152] : memref<16x1000000xf32, #tpu.memory_space<hbm>> -> memref<16x128xf32, #tpu.memory_space<hbm>>
      tpu.enqueue_dma source(%dma_start3A_162 : memref<16x128xf32, #tpu.memory_space<hbm>>) target(%dma_start3A_160 : memref<16x128xf32, #tpu.memory_space<vmem>>) target_semaphore(%arg9 : memref<!tpu.dma_semaphore, #tpu.memory_space<semaphore_mem>>)
      %slice3A_163 = vector.extract_strided_slice %get3A_15 {offsets = [9], sizes = [1], strides = [1]} : vector<16xi32> to vector<1xi32>
      %squeeze3A_164 = vector.extract %slice3A_163[0] : i32 from vector<1xi32>
      %shift_right_arithmetic3A_165 = arith.constant 7 : i32
      %shift_right_arithmetic3A_166 = arith.shrsi %squeeze3A_164, %shift_right_arithmetic3A_165 : i32
      %shift_left3A_167 = arith.constant 7 : i32
      %shift_left3A_168 = arith.shli %shift_right_arithmetic3A_166, %shift_left3A_167 : i32
      %multiple_of3A_169 = tpu.assume_multiple %shift_left3A_168, 128 : i32
      %dma_start3A_170 = arith.constant 0 : i32
      %dma_start3A_171 = arith.constant 1152 : i32
      %dma_start3A_172 = tpu.memref_slice %arg7[%dma_start3A_170, %dma_start3A_171] : memref<16x2048xf32, #tpu.memory_space<vmem>> -> memref<16x128xf32, #tpu.memory_space<vmem>>
      %dma_start3A_173 = arith.constant 0 : i32
      %dma_start3A_174 = tpu.memref_slice %arg2[%dma_start3A_173, %multiple_of3A_169] : memref<16x1000000xf32, #tpu.memory_space<hbm>> -> memref<16x128xf32, #tpu.memory_space<hbm>>
      %dma_start3A_175 = arith.constant 0 : i32
      %dma_start3A_176 = arith.constant 1152 : i32
      %dma_start3A_177 = tpu.memref_slice %arg7[%dma_start3A_175, %dma_start3A_176] : memref<16x2048xf32, #tpu.memory_space<vmem>> -> memref<16x128xf32, #tpu.memory_space<vmem>>
      %dma_start3A_178 = arith.constant 0 : i32
      %dma_start3A_179 = tpu.memref_slice %arg2[%dma_start3A_178, %multiple_of3A_169] : memref<16x1000000xf32, #tpu.memory_space<hbm>> -> memref<16x128xf32, #tpu.memory_space<hbm>>
      tpu.enqueue_dma source(%dma_start3A_179 : memref<16x128xf32, #tpu.memory_space<hbm>>) target(%dma_start3A_177 : memref<16x128xf32, #tpu.memory_space<vmem>>) target_semaphore(%arg9 : memref<!tpu.dma_semaphore, #tpu.memory_space<semaphore_mem>>)
      %slice3A_180 = vector.extract_strided_slice %get3A_15 {offsets = [10], sizes = [1], strides = [1]} : vector<16xi32> to vector<1xi32>
      %squeeze3A_181 = vector.extract %slice3A_180[0] : i32 from vector<1xi32>
      %shift_right_arithmetic3A_182 = arith.constant 7 : i32
      %shift_right_arithmetic3A_183 = arith.shrsi %squeeze3A_181, %shift_right_arithmetic3A_182 : i32
      %shift_left3A_184 = arith.constant 7 : i32
      %shift_left3A_185 = arith.shli %shift_right_arithmetic3A_183, %shift_left3A_184 : i32
      %multiple_of3A_186 = tpu.assume_multiple %shift_left3A_185, 128 : i32
      %dma_start3A_187 = arith.constant 0 : i32
      %dma_start3A_188 = arith.constant 1280 : i32
      %dma_start3A_189 = tpu.memref_slice %arg7[%dma_start3A_187, %dma_start3A_188] : memref<16x2048xf32, #tpu.memory_space<vmem>> -> memref<16x128xf32, #tpu.memory_space<vmem>>
      %dma_start3A_190 = arith.constant 0 : i32
      %dma_start3A_191 = tpu.memref_slice %arg2[%dma_start3A_190, %multiple_of3A_186] : memref<16x1000000xf32, #tpu.memory_space<hbm>> -> memref<16x128xf32, #tpu.memory_space<hbm>>
      %dma_start3A_192 = arith.constant 0 : i32
      %dma_start3A_193 = arith.constant 1280 : i32
      %dma_start3A_194 = tpu.memref_slice %arg7[%dma_start3A_192, %dma_start3A_193] : memref<16x2048xf32, #tpu.memory_space<vmem>> -> memref<16x128xf32, #tpu.memory_space<vmem>>
      %dma_start3A_195 = arith.constant 0 : i32
      %dma_start3A_196 = tpu.memref_slice %arg2[%dma_start3A_195, %multiple_of3A_186] : memref<16x1000000xf32, #tpu.memory_space<hbm>> -> memref<16x128xf32, #tpu.memory_space<hbm>>
      tpu.enqueue_dma source(%dma_start3A_196 : memref<16x128xf32, #tpu.memory_space<hbm>>) target(%dma_start3A_194 : memref<16x128xf32, #tpu.memory_space<vmem>>) target_semaphore(%arg9 : memref<!tpu.dma_semaphore, #tpu.memory_space<semaphore_mem>>)
      %slice3A_197 = vector.extract_strided_slice %get3A_15 {offsets = [11], sizes = [1], strides = [1]} : vector<16xi32> to vector<1xi32>
      %squeeze3A_198 = vector.extract %slice3A_197[0] : i32 from vector<1xi32>
      %shift_right_arithmetic3A_199 = arith.constant 7 : i32
      %shift_right_arithmetic3A_200 = arith.shrsi %squeeze3A_198, %shift_right_arithmetic3A_199 : i32
      %shift_left3A_201 = arith.constant 7 : i32
      %shift_left3A_202 = arith.shli %shift_right_arithmetic3A_200, %shift_left3A_201 : i32
      %multiple_of3A_203 = tpu.assume_multiple %shift_left3A_202, 128 : i32
      %dma_start3A_204 = arith.constant 0 : i32
      %dma_start3A_205 = arith.constant 1408 : i32
      %dma_start3A_206 = tpu.memref_slice %arg7[%dma_start3A_204, %dma_start3A_205] : memref<16x2048xf32, #tpu.memory_space<vmem>> -> memref<16x128xf32, #tpu.memory_space<vmem>>
      %dma_start3A_207 = arith.constant 0 : i32
      %dma_start3A_208 = tpu.memref_slice %arg2[%dma_start3A_207, %multiple_of3A_203] : memref<16x1000000xf32, #tpu.memory_space<hbm>> -> memref<16x128xf32, #tpu.memory_space<hbm>>
      %dma_start3A_209 = arith.constant 0 : i32
      %dma_start3A_210 = arith.constant 1408 : i32
      %dma_start3A_211 = tpu.memref_slice %arg7[%dma_start3A_209, %dma_start3A_210] : memref<16x2048xf32, #tpu.memory_space<vmem>> -> memref<16x128xf32, #tpu.memory_space<vmem>>
      %dma_start3A_212 = arith.constant 0 : i32
      %dma_start3A_213 = tpu.memref_slice %arg2[%dma_start3A_212, %multiple_of3A_203] : memref<16x1000000xf32, #tpu.memory_space<hbm>> -> memref<16x128xf32, #tpu.memory_space<hbm>>
      tpu.enqueue_dma source(%dma_start3A_213 : memref<16x128xf32, #tpu.memory_space<hbm>>) target(%dma_start3A_211 : memref<16x128xf32, #tpu.memory_space<vmem>>) target_semaphore(%arg9 : memref<!tpu.dma_semaphore, #tpu.memory_space<semaphore_mem>>)
      %slice3A_214 = vector.extract_strided_slice %get3A_15 {offsets = [12], sizes = [1], strides = [1]} : vector<16xi32> to vector<1xi32>
      %squeeze3A_215 = vector.extract %slice3A_214[0] : i32 from vector<1xi32>
      %shift_right_arithmetic3A_216 = arith.constant 7 : i32
      %shift_right_arithmetic3A_217 = arith.shrsi %squeeze3A_215, %shift_right_arithmetic3A_216 : i32
      %shift_left3A_218 = arith.constant 7 : i32
      %shift_left3A_219 = arith.shli %shift_right_arithmetic3A_217, %shift_left3A_218 : i32
      %multiple_of3A_220 = tpu.assume_multiple %shift_left3A_219, 128 : i32
      %dma_start3A_221 = arith.constant 0 : i32
      %dma_start3A_222 = arith.constant 1536 : i32
      %dma_start3A_223 = tpu.memref_slice %arg7[%dma_start3A_221, %dma_start3A_222] : memref<16x2048xf32, #tpu.memory_space<vmem>> -> memref<16x128xf32, #tpu.memory_space<vmem>>
      %dma_start3A_224 = arith.constant 0 : i32
      %dma_start3A_225 = tpu.memref_slice %arg2[%dma_start3A_224, %multiple_of3A_220] : memref<16x1000000xf32, #tpu.memory_space<hbm>> -> memref<16x128xf32, #tpu.memory_space<hbm>>
      %dma_start3A_226 = arith.constant 0 : i32
      %dma_start3A_227 = arith.constant 1536 : i32
      %dma_start3A_228 = tpu.memref_slice %arg7[%dma_start3A_226, %dma_start3A_227] : memref<16x2048xf32, #tpu.memory_space<vmem>> -> memref<16x128xf32, #tpu.memory_space<vmem>>
      %dma_start3A_229 = arith.constant 0 : i32
      %dma_start3A_230 = tpu.memref_slice %arg2[%dma_start3A_229, %multiple_of3A_220] : memref<16x1000000xf32, #tpu.memory_space<hbm>> -> memref<16x128xf32, #tpu.memory_space<hbm>>
      tpu.enqueue_dma source(%dma_start3A_230 : memref<16x128xf32, #tpu.memory_space<hbm>>) target(%dma_start3A_228 : memref<16x128xf32, #tpu.memory_space<vmem>>) target_semaphore(%arg9 : memref<!tpu.dma_semaphore, #tpu.memory_space<semaphore_mem>>)
      %slice3A_231 = vector.extract_strided_slice %get3A_15 {offsets = [13], sizes = [1], strides = [1]} : vector<16xi32> to vector<1xi32>
      %squeeze3A_232 = vector.extract %slice3A_231[0] : i32 from vector<1xi32>
      %shift_right_arithmetic3A_233 = arith.constant 7 : i32
      %shift_right_arithmetic3A_234 = arith.shrsi %squeeze3A_232, %shift_right_arithmetic3A_233 : i32
      %shift_left3A_235 = arith.constant 7 : i32
      %shift_left3A_236 = arith.shli %shift_right_arithmetic3A_234, %shift_left3A_235 : i32
      %multiple_of3A_237 = tpu.assume_multiple %shift_left3A_236, 128 : i32
      %dma_start3A_238 = arith.constant 0 : i32
      %dma_start3A_239 = arith.constant 1664 : i32
      %dma_start3A_240 = tpu.memref_slice %arg7[%dma_start3A_238, %dma_start3A_239] : memref<16x2048xf32, #tpu.memory_space<vmem>> -> memref<16x128xf32, #tpu.memory_space<vmem>>
      %dma_start3A_241 = arith.constant 0 : i32
      %dma_start3A_242 = tpu.memref_slice %arg2[%dma_start3A_241, %multiple_of3A_237] : memref<16x1000000xf32, #tpu.memory_space<hbm>> -> memref<16x128xf32, #tpu.memory_space<hbm>>
      %dma_start3A_243 = arith.constant 0 : i32
      %dma_start3A_244 = arith.constant 1664 : i32
      %dma_start3A_245 = tpu.memref_slice %arg7[%dma_start3A_243, %dma_start3A_244] : memref<16x2048xf32, #tpu.memory_space<vmem>> -> memref<16x128xf32, #tpu.memory_space<vmem>>
      %dma_start3A_246 = arith.constant 0 : i32
      %dma_start3A_247 = tpu.memref_slice %arg2[%dma_start3A_246, %multiple_of3A_237] : memref<16x1000000xf32, #tpu.memory_space<hbm>> -> memref<16x128xf32, #tpu.memory_space<hbm>>
      tpu.enqueue_dma source(%dma_start3A_247 : memref<16x128xf32, #tpu.memory_space<hbm>>) target(%dma_start3A_245 : memref<16x128xf32, #tpu.memory_space<vmem>>) target_semaphore(%arg9 : memref<!tpu.dma_semaphore, #tpu.memory_space<semaphore_mem>>)
      %slice3A_248 = vector.extract_strided_slice %get3A_15 {offsets = [14], sizes = [1], strides = [1]} : vector<16xi32> to vector<1xi32>
      %squeeze3A_249 = vector.extract %slice3A_248[0] : i32 from vector<1xi32>
      %shift_right_arithmetic3A_250 = arith.constant 7 : i32
      %shift_right_arithmetic3A_251 = arith.shrsi %squeeze3A_249, %shift_right_arithmetic3A_250 : i32
      %shift_left3A_252 = arith.constant 7 : i32
      %shift_left3A_253 = arith.shli %shift_right_arithmetic3A_251, %shift_left3A_252 : i32
      %multiple_of3A_254 = tpu.assume_multiple %shift_left3A_253, 128 : i32
      %dma_start3A_255 = arith.constant 0 : i32
      %dma_start3A_256 = arith.constant 1792 : i32
      %dma_start3A_257 = tpu.memref_slice %arg7[%dma_start3A_255, %dma_start3A_256] : memref<16x2048xf32, #tpu.memory_space<vmem>> -> memref<16x128xf32, #tpu.memory_space<vmem>>
      %dma_start3A_258 = arith.constant 0 : i32
      %dma_start3A_259 = tpu.memref_slice %arg2[%dma_start3A_258, %multiple_of3A_254] : memref<16x1000000xf32, #tpu.memory_space<hbm>> -> memref<16x128xf32, #tpu.memory_space<hbm>>
      %dma_start3A_260 = arith.constant 0 : i32
      %dma_start3A_261 = arith.constant 1792 : i32
      %dma_start3A_262 = tpu.memref_slice %arg7[%dma_start3A_260, %dma_start3A_261] : memref<16x2048xf32, #tpu.memory_space<vmem>> -> memref<16x128xf32, #tpu.memory_space<vmem>>
      %dma_start3A_263 = arith.constant 0 : i32
      %dma_start3A_264 = tpu.memref_slice %arg2[%dma_start3A_263, %multiple_of3A_254] : memref<16x1000000xf32, #tpu.memory_space<hbm>> -> memref<16x128xf32, #tpu.memory_space<hbm>>
      tpu.enqueue_dma source(%dma_start3A_264 : memref<16x128xf32, #tpu.memory_space<hbm>>) target(%dma_start3A_262 : memref<16x128xf32, #tpu.memory_space<vmem>>) target_semaphore(%arg9 : memref<!tpu.dma_semaphore, #tpu.memory_space<semaphore_mem>>)
      %slice3A_265 = vector.extract_strided_slice %get3A_15 {offsets = [15], sizes = [1], strides = [1]} : vector<16xi32> to vector<1xi32>
      %squeeze3A_266 = vector.extract %slice3A_265[0] : i32 from vector<1xi32>
      %shift_right_arithmetic3A_267 = arith.constant 7 : i32
      %shift_right_arithmetic3A_268 = arith.shrsi %squeeze3A_266, %shift_right_arithmetic3A_267 : i32
      %shift_left3A_269 = arith.constant 7 : i32
      %shift_left3A_270 = arith.shli %shift_right_arithmetic3A_268, %shift_left3A_269 : i32
      %multiple_of3A_271 = tpu.assume_multiple %shift_left3A_270, 128 : i32
      %dma_start3A_272 = arith.constant 0 : i32
      %dma_start3A_273 = arith.constant 1920 : i32
      %dma_start3A_274 = tpu.memref_slice %arg7[%dma_start3A_272, %dma_start3A_273] : memref<16x2048xf32, #tpu.memory_space<vmem>> -> memref<16x128xf32, #tpu.memory_space<vmem>>
      %dma_start3A_275 = arith.constant 0 : i32
      %dma_start3A_276 = tpu.memref_slice %arg2[%dma_start3A_275, %multiple_of3A_271] : memref<16x1000000xf32, #tpu.memory_space<hbm>> -> memref<16x128xf32, #tpu.memory_space<hbm>>
      %dma_start3A_277 = arith.constant 0 : i32
      %dma_start3A_278 = arith.constant 1920 : i32
      %dma_start3A_279 = tpu.memref_slice %arg7[%dma_start3A_277, %dma_start3A_278] : memref<16x2048xf32, #tpu.memory_space<vmem>> -> memref<16x128xf32, #tpu.memory_space<vmem>>
      %dma_start3A_280 = arith.constant 0 : i32
      %dma_start3A_281 = tpu.memref_slice %arg2[%dma_start3A_280, %multiple_of3A_271] : memref<16x1000000xf32, #tpu.memory_space<hbm>> -> memref<16x128xf32, #tpu.memory_space<hbm>>
      tpu.enqueue_dma source(%dma_start3A_281 : memref<16x128xf32, #tpu.memory_space<hbm>>) target(%dma_start3A_279 : memref<16x128xf32, #tpu.memory_space<vmem>>) target_semaphore(%arg9 : memref<!tpu.dma_semaphore, #tpu.memory_space<semaphore_mem>>)
      %add3A_282 = arith.constant 1 : i32
      %add3A_283 = arith.addi %mul3A_12, %add3A_282 : i32
      %mul3A_284 = arith.constant 16 : i32
      %mul3A_285 = arith.muli %add3A_283, %mul3A_284 : i32
      %get3A_286 = arith.index_cast %mul3A_285 : i32 to index
      %get3A_287 = tpu.vector_load %arg5[%get3A_286] {strides = array<i32>} : memref<512xi32, #tpu.memory_space<vmem>>, vector<16xi32>,
      %slice3A_288 = vector.extract_strided_slice %get3A_287 {offsets = [0], sizes = [1], strides = [1]} : vector<16xi32> to vector<1xi32>
      %squeeze3A_289 = vector.extract %slice3A_288[0] : i32 from vector<1xi32>
      %shift_right_arithmetic3A_290 = arith.constant 7 : i32
      %shift_right_arithmetic3A_291 = arith.shrsi %squeeze3A_289, %shift_right_arithmetic3A_290 : i32
      %shift_left3A_292 = arith.constant 7 : i32
      %shift_left3A_293 = arith.shli %shift_right_arithmetic3A_291, %shift_left3A_292 : i32
      %multiple_of3A_294 = tpu.assume_multiple %shift_left3A_293, 128 : i32
      %dma_start3A_295 = arith.constant 0 : i32
      %dma_start3A_296 = arith.constant 0 : i32
      %dma_start3A_297 = tpu.memref_slice %arg8[%dma_start3A_295, %dma_start3A_296] : memref<16x2048xf32, #tpu.memory_space<vmem>> -> memref<16x128xf32, #tpu.memory_space<vmem>>
      %dma_start3A_298 = arith.constant 0 : i32
      %dma_start3A_299 = tpu.memref_slice %arg2[%dma_start3A_298, %multiple_of3A_294] : memref<16x1000000xf32, #tpu.memory_space<hbm>> -> memref<16x128xf32, #tpu.memory_space<hbm>>
      %dma_start3A_300 = arith.constant 0 : i32
      %dma_start3A_301 = arith.constant 0 : i32
      %dma_start3A_302 = tpu.memref_slice %arg8[%dma_start3A_300, %dma_start3A_301] : memref<16x2048xf32, #tpu.memory_space<vmem>> -> memref<16x128xf32, #tpu.memory_space<vmem>>
      %dma_start3A_303 = arith.constant 0 : i32
      %dma_start3A_304 = tpu.memref_slice %arg2[%dma_start3A_303, %multiple_of3A_294] : memref<16x1000000xf32, #tpu.memory_space<hbm>> -> memref<16x128xf32, #tpu.memory_space<hbm>>
      tpu.enqueue_dma source(%dma_start3A_304 : memref<16x128xf32, #tpu.memory_space<hbm>>) target(%dma_start3A_302 : memref<16x128xf32, #tpu.memory_space<vmem>>) target_semaphore(%arg10 : memref<!tpu.dma_semaphore, #tpu.memory_space<semaphore_mem>>)
      %slice3A_305 = vector.extract_strided_slice %get3A_287 {offsets = [1], sizes = [1], strides = [1]} : vector<16xi32> to vector<1xi32>
      %squeeze3A_306 = vector.extract %slice3A_305[0] : i32 from vector<1xi32>
      %shift_right_arithmetic3A_307 = arith.constant 7 : i32
      %shift_right_arithmetic3A_308 = arith.shrsi %squeeze3A_306, %shift_right_arithmetic3A_307 : i32
      %shift_left3A_309 = arith.constant 7 : i32
      %shift_left3A_310 = arith.shli %shift_right_arithmetic3A_308, %shift_left3A_309 : i32
      %multiple_of3A_311 = tpu.assume_multiple %shift_left3A_310, 128 : i32
      %dma_start3A_312 = arith.constant 0 : i32
      %dma_start3A_313 = arith.constant 128 : i32
      %dma_start3A_314 = tpu.memref_slice %arg8[%dma_start3A_312, %dma_start3A_313] : memref<16x2048xf32, #tpu.memory_space<vmem>> -> memref<16x128xf32, #tpu.memory_space<vmem>>
      %dma_start3A_315 = arith.constant 0 : i32
      %dma_start3A_316 = tpu.memref_slice %arg2[%dma_start3A_315, %multiple_of3A_311] : memref<16x1000000xf32, #tpu.memory_space<hbm>> -> memref<16x128xf32, #tpu.memory_space<hbm>>
      %dma_start3A_317 = arith.constant 0 : i32
      %dma_start3A_318 = arith.constant 128 : i32
      %dma_start3A_319 = tpu.memref_slice %arg8[%dma_start3A_317, %dma_start3A_318] : memref<16x2048xf32, #tpu.memory_space<vmem>> -> memref<16x128xf32, #tpu.memory_space<vmem>>
      %dma_start3A_320 = arith.constant 0 : i32
      %dma_start3A_321 = tpu.memref_slice %arg2[%dma_start3A_320, %multiple_of3A_311] : memref<16x1000000xf32, #tpu.memory_space<hbm>> -> memref<16x128xf32, #tpu.memory_space<hbm>>
      tpu.enqueue_dma source(%dma_start3A_321 : memref<16x128xf32, #tpu.memory_space<hbm>>) target(%dma_start3A_319 : memref<16x128xf32, #tpu.memory_space<vmem>>) target_semaphore(%arg10 : memref<!tpu.dma_semaphore, #tpu.memory_space<semaphore_mem>>)
      %slice3A_322 = vector.extract_strided_slice %get3A_287 {offsets = [2], sizes = [1], strides = [1]} : vector<16xi32> to vector<1xi32>
      %squeeze3A_323 = vector.extract %slice3A_322[0] : i32 from vector<1xi32>
      %shift_right_arithmetic3A_324 = arith.constant 7 : i32
      %shift_right_arithmetic3A_325 = arith.shrsi %squeeze3A_323, %shift_right_arithmetic3A_324 : i32
      %shift_left3A_326 = arith.constant 7 : i32
      %shift_left3A_327 = arith.shli %shift_right_arithmetic3A_325, %shift_left3A_326 : i32
      %multiple_of3A_328 = tpu.assume_multiple %shift_left3A_327, 128 : i32
      %dma_start3A_329 = arith.constant 0 : i32
      %dma_start3A_330 = arith.constant 256 : i32
      %dma_start3A_331 = tpu.memref_slice %arg8[%dma_start3A_329, %dma_start3A_330] : memref<16x2048xf32, #tpu.memory_space<vmem>> -> memref<16x128xf32, #tpu.memory_space<vmem>>
      %dma_start3A_332 = arith.constant 0 : i32
      %dma_start3A_333 = tpu.memref_slice %arg2[%dma_start3A_332, %multiple_of3A_328] : memref<16x1000000xf32, #tpu.memory_space<hbm>> -> memref<16x128xf32, #tpu.memory_space<hbm>>
      %dma_start3A_334 = arith.constant 0 : i32
      %dma_start3A_335 = arith.constant 256 : i32
      %dma_start3A_336 = tpu.memref_slice %arg8[%dma_start3A_334, %dma_start3A_335] : memref<16x2048xf32, #tpu.memory_space<vmem>> -> memref<16x128xf32, #tpu.memory_space<vmem>>
      %dma_start3A_337 = arith.constant 0 : i32
      %dma_start3A_338 = tpu.memref_slice %arg2[%dma_start3A_337, %multiple_of3A_328] : memref<16x1000000xf32, #tpu.memory_space<hbm>> -> memref<16x128xf32, #tpu.memory_space<hbm>>
      tpu.enqueue_dma source(%dma_start3A_338 : memref<16x128xf32, #tpu.memory_space<hbm>>) target(%dma_start3A_336 : memref<16x128xf32, #tpu.memory_space<vmem>>) target_semaphore(%arg10 : memref<!tpu.dma_semaphore, #tpu.memory_space<semaphore_mem>>)
      %slice3A_339 = vector.extract_strided_slice %get3A_287 {offsets = [3], sizes = [1], strides = [1]} : vector<16xi32> to vector<1xi32>
      %squeeze3A_340 = vector.extract %slice3A_339[0] : i32 from vector<1xi32>
      %shift_right_arithmetic3A_341 = arith.constant 7 : i32
      %shift_right_arithmetic3A_342 = arith.shrsi %squeeze3A_340, %shift_right_arithmetic3A_341 : i32
      %shift_left3A_343 = arith.constant 7 : i32
      %shift_left3A_344 = arith.shli %shift_right_arithmetic3A_342, %shift_left3A_343 : i32
      %multiple_of3A_345 = tpu.assume_multiple %shift_left3A_344, 128 : i32
      %dma_start3A_346 = arith.constant 0 : i32
      %dma_start3A_347 = arith.constant 384 : i32
      %dma_start3A_348 = tpu.memref_slice %arg8[%dma_start3A_346, %dma_start3A_347] : memref<16x2048xf32, #tpu.memory_space<vmem>> -> memref<16x128xf32, #tpu.memory_space<vmem>>
      %dma_start3A_349 = arith.constant 0 : i32
      %dma_start3A_350 = tpu.memref_slice %arg2[%dma_start3A_349, %multiple_of3A_345] : memref<16x1000000xf32, #tpu.memory_space<hbm>> -> memref<16x128xf32, #tpu.memory_space<hbm>>
      %dma_start3A_351 = arith.constant 0 : i32
      %dma_start3A_352 = arith.constant 384 : i32
      %dma_start3A_353 = tpu.memref_slice %arg8[%dma_start3A_351, %dma_start3A_352] : memref<16x2048xf32, #tpu.memory_space<vmem>> -> memref<16x128xf32, #tpu.memory_space<vmem>>
      %dma_start3A_354 = arith.constant 0 : i32
      %dma_start3A_355 = tpu.memref_slice %arg2[%dma_start3A_354, %multiple_of3A_345] : memref<16x1000000xf32, #tpu.memory_space<hbm>> -> memref<16x128xf32, #tpu.memory_space<hbm>>
      tpu.enqueue_dma source(%dma_start3A_355 : memref<16x128xf32, #tpu.memory_space<hbm>>) target(%dma_start3A_353 : memref<16x128xf32, #tpu.memory_space<vmem>>) target_semaphore(%arg10 : memref<!tpu.dma_semaphore, #tpu.memory_space<semaphore_mem>>)
      %slice3A_356 = vector.extract_strided_slice %get3A_287 {offsets = [4], sizes = [1], strides = [1]} : vector<16xi32> to vector<1xi32>
      %squeeze3A_357 = vector.extract %slice3A_356[0] : i32 from vector<1xi32>
      %shift_right_arithmetic3A_358 = arith.constant 7 : i32
      %shift_right_arithmetic3A_359 = arith.shrsi %squeeze3A_357, %shift_right_arithmetic3A_358 : i32
      %shift_left3A_360 = arith.constant 7 : i32
      %shift_left3A_361 = arith.shli %shift_right_arithmetic3A_359, %shift_left3A_360 : i32
      %multiple_of3A_362 = tpu.assume_multiple %shift_left3A_361, 128 : i32
      %dma_start3A_363 = arith.constant 0 : i32
      %dma_start3A_364 = arith.constant 512 : i32
      %dma_start3A_365 = tpu.memref_slice %arg8[%dma_start3A_363, %dma_start3A_364] : memref<16x2048xf32, #tpu.memory_space<vmem>> -> memref<16x128xf32, #tpu.memory_space<vmem>>
      %dma_start3A_366 = arith.constant 0 : i32
      %dma_start3A_367 = tpu.memref_slice %arg2[%dma_start3A_366, %multiple_of3A_362] : memref<16x1000000xf32, #tpu.memory_space<hbm>> -> memref<16x128xf32, #tpu.memory_space<hbm>>
      %dma_start3A_368 = arith.constant 0 : i32
      %dma_start3A_369 = arith.constant 512 : i32
      %dma_start3A_370 = tpu.memref_slice %arg8[%dma_start3A_368, %dma_start3A_369] : memref<16x2048xf32, #tpu.memory_space<vmem>> -> memref<16x128xf32, #tpu.memory_space<vmem>>
      %dma_start3A_371 = arith.constant 0 : i32
      %dma_start3A_372 = tpu.memref_slice %arg2[%dma_start3A_371, %multiple_of3A_362] : memref<16x1000000xf32, #tpu.memory_space<hbm>> -> memref<16x128xf32, #tpu.memory_space<hbm>>
      tpu.enqueue_dma source(%dma_start3A_372 : memref<16x128xf32, #tpu.memory_space<hbm>>) target(%dma_start3A_370 : memref<16x128xf32, #tpu.memory_space<vmem>>) target_semaphore(%arg10 : memref<!tpu.dma_semaphore, #tpu.memory_space<semaphore_mem>>)
      %slice3A_373 = vector.extract_strided_slice %get3A_287 {offsets = [5], sizes = [1], strides = [1]} : vector<16xi32> to vector<1xi32>
      %squeeze3A_374 = vector.extract %slice3A_373[0] : i32 from vector<1xi32>
      %shift_right_arithmetic3A_375 = arith.constant 7 : i32
      %shift_right_arithmetic3A_376 = arith.shrsi %squeeze3A_374, %shift_right_arithmetic3A_375 : i32
      %shift_left3A_377 = arith.constant 7 : i32
      %shift_left3A_378 = arith.shli %shift_right_arithmetic3A_376, %shift_left3A_377 : i32
      %multiple_of3A_379 = tpu.assume_multiple %shift_left3A_378, 128 : i32
      %dma_start3A_380 = arith.constant 0 : i32
      %dma_start3A_381 = arith.constant 640 : i32
      %dma_start3A_382 = tpu.memref_slice %arg8[%dma_start3A_380, %dma_start3A_381] : memref<16x2048xf32, #tpu.memory_space<vmem>> -> memref<16x128xf32, #tpu.memory_space<vmem>>
      %dma_start3A_383 = arith.constant 0 : i32
      %dma_start3A_384 = tpu.memref_slice %arg2[%dma_start3A_383, %multiple_of3A_379] : memref<16x1000000xf32, #tpu.memory_space<hbm>> -> memref<16x128xf32, #tpu.memory_space<hbm>>
      %dma_start3A_385 = arith.constant 0 : i32
      %dma_start3A_386 = arith.constant 640 : i32
      %dma_start3A_387 = tpu.memref_slice %arg8[%dma_start3A_385, %dma_start3A_386] : memref<16x2048xf32, #tpu.memory_space<vmem>> -> memref<16x128xf32, #tpu.memory_space<vmem>>
      %dma_start3A_388 = arith.constant 0 : i32
      %dma_start3A_389 = tpu.memref_slice %arg2[%dma_start3A_388, %multiple_of3A_379] : memref<16x1000000xf32, #tpu.memory_space<hbm>> -> memref<16x128xf32, #tpu.memory_space<hbm>>
      tpu.enqueue_dma source(%dma_start3A_389 : memref<16x128xf32, #tpu.memory_space<hbm>>) target(%dma_start3A_387 : memref<16x128xf32, #tpu.memory_space<vmem>>) target_semaphore(%arg10 : memref<!tpu.dma_semaphore, #tpu.memory_space<semaphore_mem>>)
      %slice3A_390 = vector.extract_strided_slice %get3A_287 {offsets = [6], sizes = [1], strides = [1]} : vector<16xi32> to vector<1xi32>
      %squeeze3A_391 = vector.extract %slice3A_390[0] : i32 from vector<1xi32>
      %shift_right_arithmetic3A_392 = arith.constant 7 : i32
      %shift_right_arithmetic3A_393 = arith.shrsi %squeeze3A_391, %shift_right_arithmetic3A_392 : i32
      %shift_left3A_394 = arith.constant 7 : i32
      %shift_left3A_395 = arith.shli %shift_right_arithmetic3A_393, %shift_left3A_394 : i32
      %multiple_of3A_396 = tpu.assume_multiple %shift_left3A_395, 128 : i32
      %dma_start3A_397 = arith.constant 0 : i32
      %dma_start3A_398 = arith.constant 768 : i32
      %dma_start3A_399 = tpu.memref_slice %arg8[%dma_start3A_397, %dma_start3A_398] : memref<16x2048xf32, #tpu.memory_space<vmem>> -> memref<16x128xf32, #tpu.memory_space<vmem>>
      %dma_start3A_400 = arith.constant 0 : i32
      %dma_start3A_401 = tpu.memref_slice %arg2[%dma_start3A_400, %multiple_of3A_396] : memref<16x1000000xf32, #tpu.memory_space<hbm>> -> memref<16x128xf32, #tpu.memory_space<hbm>>
      %dma_start3A_402 = arith.constant 0 : i32
      %dma_start3A_403 = arith.constant 768 : i32
      %dma_start3A_404 = tpu.memref_slice %arg8[%dma_start3A_402, %dma_start3A_403] : memref<16x2048xf32, #tpu.memory_space<vmem>> -> memref<16x128xf32, #tpu.memory_space<vmem>>
      %dma_start3A_405 = arith.constant 0 : i32
      %dma_start3A_406 = tpu.memref_slice %arg2[%dma_start3A_405, %multiple_of3A_396] : memref<16x1000000xf32, #tpu.memory_space<hbm>> -> memref<16x128xf32, #tpu.memory_space<hbm>>
      tpu.enqueue_dma source(%dma_start3A_406 : memref<16x128xf32, #tpu.memory_space<hbm>>) target(%dma_start3A_404 : memref<16x128xf32, #tpu.memory_space<vmem>>) target_semaphore(%arg10 : memref<!tpu.dma_semaphore, #tpu.memory_space<semaphore_mem>>)
      %slice3A_407 = vector.extract_strided_slice %get3A_287 {offsets = [7], sizes = [1], strides = [1]} : vector<16xi32> to vector<1xi32>
      %squeeze3A_408 = vector.extract %slice3A_407[0] : i32 from vector<1xi32>
      %shift_right_arithmetic3A_409 = arith.constant 7 : i32
      %shift_right_arithmetic3A_410 = arith.shrsi %squeeze3A_408, %shift_right_arithmetic3A_409 : i32
      %shift_left3A_411 = arith.constant 7 : i32
      %shift_left3A_412 = arith.shli %shift_right_arithmetic3A_410, %shift_left3A_411 : i32
      %multiple_of3A_413 = tpu.assume_multiple %shift_left3A_412, 128 : i32
      %dma_start3A_414 = arith.constant 0 : i32
      %dma_start3A_415 = arith.constant 896 : i32
      %dma_start3A_416 = tpu.memref_slice %arg8[%dma_start3A_414, %dma_start3A_415] : memref<16x2048xf32, #tpu.memory_space<vmem>> -> memref<16x128xf32, #tpu.memory_space<vmem>>
      %dma_start3A_417 = arith.constant 0 : i32
      %dma_start3A_418 = tpu.memref_slice %arg2[%dma_start3A_417, %multiple_of3A_413] : memref<16x1000000xf32, #tpu.memory_space<hbm>> -> memref<16x128xf32, #tpu.memory_space<hbm>>
      %dma_start3A_419 = arith.constant 0 : i32
      %dma_start3A_420 = arith.constant 896 : i32
      %dma_start3A_421 = tpu.memref_slice %arg8[%dma_start3A_419, %dma_start3A_420] : memref<16x2048xf32, #tpu.memory_space<vmem>> -> memref<16x128xf32, #tpu.memory_space<vmem>>
      %dma_start3A_422 = arith.constant 0 : i32
      %dma_start3A_423 = tpu.memref_slice %arg2[%dma_start3A_422, %multiple_of3A_413] : memref<16x1000000xf32, #tpu.memory_space<hbm>> -> memref<16x128xf32, #tpu.memory_space<hbm>>
      tpu.enqueue_dma source(%dma_start3A_423 : memref<16x128xf32, #tpu.memory_space<hbm>>) target(%dma_start3A_421 : memref<16x128xf32, #tpu.memory_space<vmem>>) target_semaphore(%arg10 : memref<!tpu.dma_semaphore, #tpu.memory_space<semaphore_mem>>)
      %slice3A_424 = vector.extract_strided_slice %get3A_287 {offsets = [8], sizes = [1], strides = [1]} : vector<16xi32> to vector<1xi32>
      %squeeze3A_425 = vector.extract %slice3A_424[0] : i32 from vector<1xi32>
      %shift_right_arithmetic3A_426 = arith.constant 7 : i32
      %shift_right_arithmetic3A_427 = arith.shrsi %squeeze3A_425, %shift_right_arithmetic3A_426 : i32
      %shift_left3A_428 = arith.constant 7 : i32
      %shift_left3A_429 = arith.shli %shift_right_arithmetic3A_427, %shift_left3A_428 : i32
      %multiple_of3A_430 = tpu.assume_multiple %shift_left3A_429, 128 : i32
      %dma_start3A_431 = arith.constant 0 : i32
      %dma_start3A_432 = arith.constant 1024 : i32
      %dma_start3A_433 = tpu.memref_slice %arg8[%dma_start3A_431, %dma_start3A_432] : memref<16x2048xf32, #tpu.memory_space<vmem>> -> memref<16x128xf32, #tpu.memory_space<vmem>>
      %dma_start3A_434 = arith.constant 0 : i32
      %dma_start3A_435 = tpu.memref_slice %arg2[%dma_start3A_434, %multiple_of3A_430] : memref<16x1000000xf32, #tpu.memory_space<hbm>> -> memref<16x128xf32, #tpu.memory_space<hbm>>
      %dma_start3A_436 = arith.constant 0 : i32
      %dma_start3A_437 = arith.constant 1024 : i32
      %dma_start3A_438 = tpu.memref_slice %arg8[%dma_start3A_436, %dma_start3A_437] : memref<16x2048xf32, #tpu.memory_space<vmem>> -> memref<16x128xf32, #tpu.memory_space<vmem>>
      %dma_start3A_439 = arith.constant 0 : i32
      %dma_start3A_440 = tpu.memref_slice %arg2[%dma_start3A_439, %multiple_of3A_430] : memref<16x1000000xf32, #tpu.memory_space<hbm>> -> memref<16x128xf32, #tpu.memory_space<hbm>>
      tpu.enqueue_dma source(%dma_start3A_440 : memref<16x128xf32, #tpu.memory_space<hbm>>) target(%dma_start3A_438 : memref<16x128xf32, #tpu.memory_space<vmem>>) target_semaphore(%arg10 : memref<!tpu.dma_semaphore, #tpu.memory_space<semaphore_mem>>)
      %slice3A_441 = vector.extract_strided_slice %get3A_287 {offsets = [9], sizes = [1], strides = [1]} : vector<16xi32> to vector<1xi32>
      %squeeze3A_442 = vector.extract %slice3A_441[0] : i32 from vector<1xi32>
      %shift_right_arithmetic3A_443 = arith.constant 7 : i32
      %shift_right_arithmetic3A_444 = arith.shrsi %squeeze3A_442, %shift_right_arithmetic3A_443 : i32
      %shift_left3A_445 = arith.constant 7 : i32
      %shift_left3A_446 = arith.shli %shift_right_arithmetic3A_444, %shift_left3A_445 : i32
      %multiple_of3A_447 = tpu.assume_multiple %shift_left3A_446, 128 : i32
      %dma_start3A_448 = arith.constant 0 : i32
      %dma_start3A_449 = arith.constant 1152 : i32
      %dma_start3A_450 = tpu.memref_slice %arg8[%dma_start3A_448, %dma_start3A_449] : memref<16x2048xf32, #tpu.memory_space<vmem>> -> memref<16x128xf32, #tpu.memory_space<vmem>>
      %dma_start3A_451 = arith.constant 0 : i32
      %dma_start3A_452 = tpu.memref_slice %arg2[%dma_start3A_451, %multiple_of3A_447] : memref<16x1000000xf32, #tpu.memory_space<hbm>> -> memref<16x128xf32, #tpu.memory_space<hbm>>
      %dma_start3A_453 = arith.constant 0 : i32
      %dma_start3A_454 = arith.constant 1152 : i32
      %dma_start3A_455 = tpu.memref_slice %arg8[%dma_start3A_453, %dma_start3A_454] : memref<16x2048xf32, #tpu.memory_space<vmem>> -> memref<16x128xf32, #tpu.memory_space<vmem>>
      %dma_start3A_456 = arith.constant 0 : i32
      %dma_start3A_457 = tpu.memref_slice %arg2[%dma_start3A_456, %multiple_of3A_447] : memref<16x1000000xf32, #tpu.memory_space<hbm>> -> memref<16x128xf32, #tpu.memory_space<hbm>>
      tpu.enqueue_dma source(%dma_start3A_457 : memref<16x128xf32, #tpu.memory_space<hbm>>) target(%dma_start3A_455 : memref<16x128xf32, #tpu.memory_space<vmem>>) target_semaphore(%arg10 : memref<!tpu.dma_semaphore, #tpu.memory_space<semaphore_mem>>)
      %slice3A_458 = vector.extract_strided_slice %get3A_287 {offsets = [10], sizes = [1], strides = [1]} : vector<16xi32> to vector<1xi32>
      %squeeze3A_459 = vector.extract %slice3A_458[0] : i32 from vector<1xi32>
      %shift_right_arithmetic3A_460 = arith.constant 7 : i32
      %shift_right_arithmetic3A_461 = arith.shrsi %squeeze3A_459, %shift_right_arithmetic3A_460 : i32
      %shift_left3A_462 = arith.constant 7 : i32
      %shift_left3A_463 = arith.shli %shift_right_arithmetic3A_461, %shift_left3A_462 : i32
      %multiple_of3A_464 = tpu.assume_multiple %shift_left3A_463, 128 : i32
      %dma_start3A_465 = arith.constant 0 : i32
      %dma_start3A_466 = arith.constant 1280 : i32
      %dma_start3A_467 = tpu.memref_slice %arg8[%dma_start3A_465, %dma_start3A_466] : memref<16x2048xf32, #tpu.memory_space<vmem>> -> memref<16x128xf32, #tpu.memory_space<vmem>>
      %dma_start3A_468 = arith.constant 0 : i32
      %dma_start3A_469 = tpu.memref_slice %arg2[%dma_start3A_468, %multiple_of3A_464] : memref<16x1000000xf32, #tpu.memory_space<hbm>> -> memref<16x128xf32, #tpu.memory_space<hbm>>
      %dma_start3A_470 = arith.constant 0 : i32
      %dma_start3A_471 = arith.constant 1280 : i32
      %dma_start3A_472 = tpu.memref_slice %arg8[%dma_start3A_470, %dma_start3A_471] : memref<16x2048xf32, #tpu.memory_space<vmem>> -> memref<16x128xf32, #tpu.memory_space<vmem>>
      %dma_start3A_473 = arith.constant 0 : i32
      %dma_start3A_474 = tpu.memref_slice %arg2[%dma_start3A_473, %multiple_of3A_464] : memref<16x1000000xf32, #tpu.memory_space<hbm>> -> memref<16x128xf32, #tpu.memory_space<hbm>>
      tpu.enqueue_dma source(%dma_start3A_474 : memref<16x128xf32, #tpu.memory_space<hbm>>) target(%dma_start3A_472 : memref<16x128xf32, #tpu.memory_space<vmem>>) target_semaphore(%arg10 : memref<!tpu.dma_semaphore, #tpu.memory_space<semaphore_mem>>)
      %slice3A_475 = vector.extract_strided_slice %get3A_287 {offsets = [11], sizes = [1], strides = [1]} : vector<16xi32> to vector<1xi32>
      %squeeze3A_476 = vector.extract %slice3A_475[0] : i32 from vector<1xi32>
      %shift_right_arithmetic3A_477 = arith.constant 7 : i32
      %shift_right_arithmetic3A_478 = arith.shrsi %squeeze3A_476, %shift_right_arithmetic3A_477 : i32
      %shift_left3A_479 = arith.constant 7 : i32
      %shift_left3A_480 = arith.shli %shift_right_arithmetic3A_478, %shift_left3A_479 : i32
      %multiple_of3A_481 = tpu.assume_multiple %shift_left3A_480, 128 : i32
      %dma_start3A_482 = arith.constant 0 : i32
      %dma_start3A_483 = arith.constant 1408 : i32
      %dma_start3A_484 = tpu.memref_slice %arg8[%dma_start3A_482, %dma_start3A_483] : memref<16x2048xf32, #tpu.memory_space<vmem>> -> memref<16x128xf32, #tpu.memory_space<vmem>>
      %dma_start3A_485 = arith.constant 0 : i32
      %dma_start3A_486 = tpu.memref_slice %arg2[%dma_start3A_485, %multiple_of3A_481] : memref<16x1000000xf32, #tpu.memory_space<hbm>> -> memref<16x128xf32, #tpu.memory_space<hbm>>
      %dma_start3A_487 = arith.constant 0 : i32
      %dma_start3A_488 = arith.constant 1408 : i32
      %dma_start3A_489 = tpu.memref_slice %arg8[%dma_start3A_487, %dma_start3A_488] : memref<16x2048xf32, #tpu.memory_space<vmem>> -> memref<16x128xf32, #tpu.memory_space<vmem>>
      %dma_start3A_490 = arith.constant 0 : i32
      %dma_start3A_491 = tpu.memref_slice %arg2[%dma_start3A_490, %multiple_of3A_481] : memref<16x1000000xf32, #tpu.memory_space<hbm>> -> memref<16x128xf32, #tpu.memory_space<hbm>>
      tpu.enqueue_dma source(%dma_start3A_491 : memref<16x128xf32, #tpu.memory_space<hbm>>) target(%dma_start3A_489 : memref<16x128xf32, #tpu.memory_space<vmem>>) target_semaphore(%arg10 : memref<!tpu.dma_semaphore, #tpu.memory_space<semaphore_mem>>)
      %slice3A_492 = vector.extract_strided_slice %get3A_287 {offsets = [12], sizes = [1], strides = [1]} : vector<16xi32> to vector<1xi32>
      %squeeze3A_493 = vector.extract %slice3A_492[0] : i32 from vector<1xi32>
      %shift_right_arithmetic3A_494 = arith.constant 7 : i32
      %shift_right_arithmetic3A_495 = arith.shrsi %squeeze3A_493, %shift_right_arithmetic3A_494 : i32
      %shift_left3A_496 = arith.constant 7 : i32
      %shift_left3A_497 = arith.shli %shift_right_arithmetic3A_495, %shift_left3A_496 : i32
      %multiple_of3A_498 = tpu.assume_multiple %shift_left3A_497, 128 : i32
      %dma_start3A_499 = arith.constant 0 : i32
      %dma_start3A_500 = arith.constant 1536 : i32
      %dma_start3A_501 = tpu.memref_slice %arg8[%dma_start3A_499, %dma_start3A_500] : memref<16x2048xf32, #tpu.memory_space<vmem>> -> memref<16x128xf32, #tpu.memory_space<vmem>>
      %dma_start3A_502 = arith.constant 0 : i32
      %dma_start3A_503 = tpu.memref_slice %arg2[%dma_start3A_502, %multiple_of3A_498] : memref<16x1000000xf32, #tpu.memory_space<hbm>> -> memref<16x128xf32, #tpu.memory_space<hbm>>
      %dma_start3A_504 = arith.constant 0 : i32
      %dma_start3A_505 = arith.constant 1536 : i32
      %dma_start3A_506 = tpu.memref_slice %arg8[%dma_start3A_504, %dma_start3A_505] : memref<16x2048xf32, #tpu.memory_space<vmem>> -> memref<16x128xf32, #tpu.memory_space<vmem>>
      %dma_start3A_507 = arith.constant 0 : i32
      %dma_start3A_508 = tpu.memref_slice %arg2[%dma_start3A_507, %multiple_of3A_498] : memref<16x1000000xf32, #tpu.memory_space<hbm>> -> memref<16x128xf32, #tpu.memory_space<hbm>>
      tpu.enqueue_dma source(%dma_start3A_508 : memref<16x128xf32, #tpu.memory_space<hbm>>) target(%dma_start3A_506 : memref<16x128xf32, #tpu.memory_space<vmem>>) target_semaphore(%arg10 : memref<!tpu.dma_semaphore, #tpu.memory_space<semaphore_mem>>)
      %slice3A_509 = vector.extract_strided_slice %get3A_287 {offsets = [13], sizes = [1], strides = [1]} : vector<16xi32> to vector<1xi32>
      %squeeze3A_510 = vector.extract %slice3A_509[0] : i32 from vector<1xi32>
      %shift_right_arithmetic3A_511 = arith.constant 7 : i32
      %shift_right_arithmetic3A_512 = arith.shrsi %squeeze3A_510, %shift_right_arithmetic3A_511 : i32
      %shift_left3A_513 = arith.constant 7 : i32
      %shift_left3A_514 = arith.shli %shift_right_arithmetic3A_512, %shift_left3A_513 : i32
      %multiple_of3A_515 = tpu.assume_multiple %shift_left3A_514, 128 : i32
      %dma_start3A_516 = arith.constant 0 : i32
      %dma_start3A_517 = arith.constant 1664 : i32
      %dma_start3A_518 = tpu.memref_slice %arg8[%dma_start3A_516, %dma_start3A_517] : memref<16x2048xf32, #tpu.memory_space<vmem>> -> memref<16x128xf32, #tpu.memory_space<vmem>>
      %dma_start3A_519 = arith.constant 0 : i32
      %dma_start3A_520 = tpu.memref_slice %arg2[%dma_start3A_519, %multiple_of3A_515] : memref<16x1000000xf32, #tpu.memory_space<hbm>> -> memref<16x128xf32, #tpu.memory_space<hbm>>
      %dma_start3A_521 = arith.constant 0 : i32
      %dma_start3A_522 = arith.constant 1664 : i32
      %dma_start3A_523 = tpu.memref_slice %arg8[%dma_start3A_521, %dma_start3A_522] : memref<16x2048xf32, #tpu.memory_space<vmem>> -> memref<16x128xf32, #tpu.memory_space<vmem>>
      %dma_start3A_524 = arith.constant 0 : i32
      %dma_start3A_525 = tpu.memref_slice %arg2[%dma_start3A_524, %multiple_of3A_515] : memref<16x1000000xf32, #tpu.memory_space<hbm>> -> memref<16x128xf32, #tpu.memory_space<hbm>>
      tpu.enqueue_dma source(%dma_start3A_525 : memref<16x128xf32, #tpu.memory_space<hbm>>) target(%dma_start3A_523 : memref<16x128xf32, #tpu.memory_space<vmem>>) target_semaphore(%arg10 : memref<!tpu.dma_semaphore, #tpu.memory_space<semaphore_mem>>)
      %slice3A_526 = vector.extract_strided_slice %get3A_287 {offsets = [14], sizes = [1], strides = [1]} : vector<16xi32> to vector<1xi32>
      %squeeze3A_527 = vector.extract %slice3A_526[0] : i32 from vector<1xi32>
      %shift_right_arithmetic3A_528 = arith.constant 7 : i32
      %shift_right_arithmetic3A_529 = arith.shrsi %squeeze3A_527, %shift_right_arithmetic3A_528 : i32
      %shift_left3A_530 = arith.constant 7 : i32
      %shift_left3A_531 = arith.shli %shift_right_arithmetic3A_529, %shift_left3A_530 : i32
      %multiple_of3A_532 = tpu.assume_multiple %shift_left3A_531, 128 : i32
      %dma_start3A_533 = arith.constant 0 : i32
      %dma_start3A_534 = arith.constant 1792 : i32
      %dma_start3A_535 = tpu.memref_slice %arg8[%dma_start3A_533, %dma_start3A_534] : memref<16x2048xf32, #tpu.memory_space<vmem>> -> memref<16x128xf32, #tpu.memory_space<vmem>>
      %dma_start3A_536 = arith.constant 0 : i32
      %dma_start3A_537 = tpu.memref_slice %arg2[%dma_start3A_536, %multiple_of3A_532] : memref<16x1000000xf32, #tpu.memory_space<hbm>> -> memref<16x128xf32, #tpu.memory_space<hbm>>
      %dma_start3A_538 = arith.constant 0 : i32
      %dma_start3A_539 = arith.constant 1792 : i32
      %dma_start3A_540 = tpu.memref_slice %arg8[%dma_start3A_538, %dma_start3A_539] : memref<16x2048xf32, #tpu.memory_space<vmem>> -> memref<16x128xf32, #tpu.memory_space<vmem>>
      %dma_start3A_541 = arith.constant 0 : i32
      %dma_start3A_542 = tpu.memref_slice %arg2[%dma_start3A_541, %multiple_of3A_532] : memref<16x1000000xf32, #tpu.memory_space<hbm>> -> memref<16x128xf32, #tpu.memory_space<hbm>>
      tpu.enqueue_dma source(%dma_start3A_542 : memref<16x128xf32, #tpu.memory_space<hbm>>) target(%dma_start3A_540 : memref<16x128xf32, #tpu.memory_space<vmem>>) target_semaphore(%arg10 : memref<!tpu.dma_semaphore, #tpu.memory_space<semaphore_mem>>)
      %slice3A_543 = vector.extract_strided_slice %get3A_287 {offsets = [15], sizes = [1], strides = [1]} : vector<16xi32> to vector<1xi32>
      %squeeze3A_544 = vector.extract %slice3A_543[0] : i32 from vector<1xi32>
      %shift_right_arithmetic3A_545 = arith.constant 7 : i32
      %shift_right_arithmetic3A_546 = arith.shrsi %squeeze3A_544, %shift_right_arithmetic3A_545 : i32
      %shift_left3A_547 = arith.constant 7 : i32
      %shift_left3A_548 = arith.shli %shift_right_arithmetic3A_546, %shift_left3A_547 : i32
      %multiple_of3A_549 = tpu.assume_multiple %shift_left3A_548, 128 : i32
      %dma_start3A_550 = arith.constant 0 : i32
      %dma_start3A_551 = arith.constant 1920 : i32
      %dma_start3A_552 = tpu.memref_slice %arg8[%dma_start3A_550, %dma_start3A_551] : memref<16x2048xf32, #tpu.memory_space<vmem>> -> memref<16x128xf32, #tpu.memory_space<vmem>>
      %dma_start3A_553 = arith.constant 0 : i32
      %dma_start3A_554 = tpu.memref_slice %arg2[%dma_start3A_553, %multiple_of3A_549] : memref<16x1000000xf32, #tpu.memory_space<hbm>> -> memref<16x128xf32, #tpu.memory_space<hbm>>
      %dma_start3A_555 = arith.constant 0 : i32
      %dma_start3A_556 = arith.constant 1920 : i32
      %dma_start3A_557 = tpu.memref_slice %arg8[%dma_start3A_555, %dma_start3A_556] : memref<16x2048xf32, #tpu.memory_space<vmem>> -> memref<16x128xf32, #tpu.memory_space<vmem>>
      %dma_start3A_558 = arith.constant 0 : i32
      %dma_start3A_559 = tpu.memref_slice %arg2[%dma_start3A_558, %multiple_of3A_549] : memref<16x1000000xf32, #tpu.memory_space<hbm>> -> memref<16x128xf32, #tpu.memory_space<hbm>>
      tpu.enqueue_dma source(%dma_start3A_559 : memref<16x128xf32, #tpu.memory_space<hbm>>) target(%dma_start3A_557 : memref<16x128xf32, #tpu.memory_space<vmem>>) target_semaphore(%arg10 : memref<!tpu.dma_semaphore, #tpu.memory_space<semaphore_mem>>)
      %dma_wait3A = arith.constant 0 : i32
      %dma_wait3A_560 = arith.constant 0 : i32
      %dma_wait3A_561 = tpu.memref_slice %arg7[%dma_wait3A, %dma_wait3A_560] : memref<16x2048xf32, #tpu.memory_space<vmem>> -> memref<16x128xf32, #tpu.memory_space<vmem>>
      %dma_wait3A_562 = arith.constant 0 : i32
      %dma_wait3A_563 = tpu.memref_slice %arg2[%dma_wait3A_562, %multiple_of3A] : memref<16x1000000xf32, #tpu.memory_space<hbm>> -> memref<16x128xf32, #tpu.memory_space<hbm>>
      %dma_wait3A_564 = arith.constant 0 : i32
      %dma_wait3A_565 = arith.constant 0 : i32
      %dma_wait3A_566 = tpu.memref_slice %arg7[%dma_wait3A_564, %dma_wait3A_565] : memref<16x2048xf32, #tpu.memory_space<vmem>> -> memref<16x128xf32, #tpu.memory_space<vmem>>
      %dma_wait3A_567 = arith.constant 0 : i32
      %dma_wait3A_568 = tpu.memref_slice %arg2[%dma_wait3A_567, %multiple_of3A] : memref<16x1000000xf32, #tpu.memory_space<hbm>> -> memref<16x128xf32, #tpu.memory_space<hbm>>
      tpu.wait_dma2 semaphore(%arg9 : memref<!tpu.dma_semaphore, #tpu.memory_space<semaphore_mem>>) src(%dma_wait3A_568 : memref<16x128xf32, #tpu.memory_space<hbm>>) dst(%dma_wait3A_566 : memref<16x128xf32, #tpu.memory_space<vmem>>)
      %dma_wait3A_569 = arith.constant 0 : i32
      %dma_wait3A_570 = arith.constant 128 : i32
      %dma_wait3A_571 = tpu.memref_slice %arg7[%dma_wait3A_569, %dma_wait3A_570] : memref<16x2048xf32, #tpu.memory_space<vmem>> -> memref<16x128xf32, #tpu.memory_space<vmem>>
      %dma_wait3A_572 = arith.constant 0 : i32
      %dma_wait3A_573 = tpu.memref_slice %arg2[%dma_wait3A_572, %multiple_of3A_33] : memref<16x1000000xf32, #tpu.memory_space<hbm>> -> memref<16x128xf32, #tpu.memory_space<hbm>>
      %dma_wait3A_574 = arith.constant 0 : i32
      %dma_wait3A_575 = arith.constant 128 : i32
      %dma_wait3A_576 = tpu.memref_slice %arg7[%dma_wait3A_574, %dma_wait3A_575] : memref<16x2048xf32, #tpu.memory_space<vmem>> -> memref<16x128xf32, #tpu.memory_space<vmem>>
      %dma_wait3A_577 = arith.constant 0 : i32
      %dma_wait3A_578 = tpu.memref_slice %arg2[%dma_wait3A_577, %multiple_of3A_33] : memref<16x1000000xf32, #tpu.memory_space<hbm>> -> memref<16x128xf32, #tpu.memory_space<hbm>>
      tpu.wait_dma2 semaphore(%arg9 : memref<!tpu.dma_semaphore, #tpu.memory_space<semaphore_mem>>) src(%dma_wait3A_578 : memref<16x128xf32, #tpu.memory_space<hbm>>) dst(%dma_wait3A_576 : memref<16x128xf32, #tpu.memory_space<vmem>>)
      %dma_wait3A_579 = arith.constant 0 : i32
      %dma_wait3A_580 = arith.constant 256 : i32
      %dma_wait3A_581 = tpu.memref_slice %arg7[%dma_wait3A_579, %dma_wait3A_580] : memref<16x2048xf32, #tpu.memory_space<vmem>> -> memref<16x128xf32, #tpu.memory_space<vmem>>
      %dma_wait3A_582 = arith.constant 0 : i32
      %dma_wait3A_583 = tpu.memref_slice %arg2[%dma_wait3A_582, %multiple_of3A_50] : memref<16x1000000xf32, #tpu.memory_space<hbm>> -> memref<16x128xf32, #tpu.memory_space<hbm>>
      %dma_wait3A_584 = arith.constant 0 : i32
      %dma_wait3A_585 = arith.constant 256 : i32
      %dma_wait3A_586 = tpu.memref_slice %arg7[%dma_wait3A_584, %dma_wait3A_585] : memref<16x2048xf32, #tpu.memory_space<vmem>> -> memref<16x128xf32, #tpu.memory_space<vmem>>
      %dma_wait3A_587 = arith.constant 0 : i32
      %dma_wait3A_588 = tpu.memref_slice %arg2[%dma_wait3A_587, %multiple_of3A_50] : memref<16x1000000xf32, #tpu.memory_space<hbm>> -> memref<16x128xf32, #tpu.memory_space<hbm>>
      tpu.wait_dma2 semaphore(%arg9 : memref<!tpu.dma_semaphore, #tpu.memory_space<semaphore_mem>>) src(%dma_wait3A_588 : memref<16x128xf32, #tpu.memory_space<hbm>>) dst(%dma_wait3A_586 : memref<16x128xf32, #tpu.memory_space<vmem>>)
      %dma_wait3A_589 = arith.constant 0 : i32
      %dma_wait3A_590 = arith.constant 384 : i32
      %dma_wait3A_591 = tpu.memref_slice %arg7[%dma_wait3A_589, %dma_wait3A_590] : memref<16x2048xf32, #tpu.memory_space<vmem>> -> memref<16x128xf32, #tpu.memory_space<vmem>>
      %dma_wait3A_592 = arith.constant 0 : i32
      %dma_wait3A_593 = tpu.memref_slice %arg2[%dma_wait3A_592, %multiple_of3A_67] : memref<16x1000000xf32, #tpu.memory_space<hbm>> -> memref<16x128xf32, #tpu.memory_space<hbm>>
      %dma_wait3A_594 = arith.constant 0 : i32
      %dma_wait3A_595 = arith.constant 384 : i32
      %dma_wait3A_596 = tpu.memref_slice %arg7[%dma_wait3A_594, %dma_wait3A_595] : memref<16x2048xf32, #tpu.memory_space<vmem>> -> memref<16x128xf32, #tpu.memory_space<vmem>>
      %dma_wait3A_597 = arith.constant 0 : i32
      %dma_wait3A_598 = tpu.memref_slice %arg2[%dma_wait3A_597, %multiple_of3A_67] : memref<16x1000000xf32, #tpu.memory_space<hbm>> -> memref<16x128xf32, #tpu.memory_space<hbm>>
      tpu.wait_dma2 semaphore(%arg9 : memref<!tpu.dma_semaphore, #tpu.memory_space<semaphore_mem>>) src(%dma_wait3A_598 : memref<16x128xf32, #tpu.memory_space<hbm>>) dst(%dma_wait3A_596 : memref<16x128xf32, #tpu.memory_space<vmem>>)
      %dma_wait3A_599 = arith.constant 0 : i32
      %dma_wait3A_600 = arith.constant 512 : i32
      %dma_wait3A_601 = tpu.memref_slice %arg7[%dma_wait3A_599, %dma_wait3A_600] : memref<16x2048xf32, #tpu.memory_space<vmem>> -> memref<16x128xf32, #tpu.memory_space<vmem>>
      %dma_wait3A_602 = arith.constant 0 : i32
      %dma_wait3A_603 = tpu.memref_slice %arg2[%dma_wait3A_602, %multiple_of3A_84] : memref<16x1000000xf32, #tpu.memory_space<hbm>> -> memref<16x128xf32, #tpu.memory_space<hbm>>
      %dma_wait3A_604 = arith.constant 0 : i32
      %dma_wait3A_605 = arith.constant 512 : i32
      %dma_wait3A_606 = tpu.memref_slice %arg7[%dma_wait3A_604, %dma_wait3A_605] : memref<16x2048xf32, #tpu.memory_space<vmem>> -> memref<16x128xf32, #tpu.memory_space<vmem>>
      %dma_wait3A_607 = arith.constant 0 : i32
      %dma_wait3A_608 = tpu.memref_slice %arg2[%dma_wait3A_607, %multiple_of3A_84] : memref<16x1000000xf32, #tpu.memory_space<hbm>> -> memref<16x128xf32, #tpu.memory_space<hbm>>
      tpu.wait_dma2 semaphore(%arg9 : memref<!tpu.dma_semaphore, #tpu.memory_space<semaphore_mem>>) src(%dma_wait3A_608 : memref<16x128xf32, #tpu.memory_space<hbm>>) dst(%dma_wait3A_606 : memref<16x128xf32, #tpu.memory_space<vmem>>)
      %dma_wait3A_609 = arith.constant 0 : i32
      %dma_wait3A_610 = arith.constant 640 : i32
      %dma_wait3A_611 = tpu.memref_slice %arg7[%dma_wait3A_609, %dma_wait3A_610] : memref<16x2048xf32, #tpu.memory_space<vmem>> -> memref<16x128xf32, #tpu.memory_space<vmem>>
      %dma_wait3A_612 = arith.constant 0 : i32
      %dma_wait3A_613 = tpu.memref_slice %arg2[%dma_wait3A_612, %multiple_of3A_101] : memref<16x1000000xf32, #tpu.memory_space<hbm>> -> memref<16x128xf32, #tpu.memory_space<hbm>>
      %dma_wait3A_614 = arith.constant 0 : i32
      %dma_wait3A_615 = arith.constant 640 : i32
      %dma_wait3A_616 = tpu.memref_slice %arg7[%dma_wait3A_614, %dma_wait3A_615] : memref<16x2048xf32, #tpu.memory_space<vmem>> -> memref<16x128xf32, #tpu.memory_space<vmem>>
      %dma_wait3A_617 = arith.constant 0 : i32
      %dma_wait3A_618 = tpu.memref_slice %arg2[%dma_wait3A_617, %multiple_of3A_101] : memref<16x1000000xf32, #tpu.memory_space<hbm>> -> memref<16x128xf32, #tpu.memory_space<hbm>>
      tpu.wait_dma2 semaphore(%arg9 : memref<!tpu.dma_semaphore, #tpu.memory_space<semaphore_mem>>) src(%dma_wait3A_618 : memref<16x128xf32, #tpu.memory_space<hbm>>) dst(%dma_wait3A_616 : memref<16x128xf32, #tpu.memory_space<vmem>>)
      %dma_wait3A_619 = arith.constant 0 : i32
      %dma_wait3A_620 = arith.constant 768 : i32
      %dma_wait3A_621 = tpu.memref_slice %arg7[%dma_wait3A_619, %dma_wait3A_620] : memref<16x2048xf32, #tpu.memory_space<vmem>> -> memref<16x128xf32, #tpu.memory_space<vmem>>
      %dma_wait3A_622 = arith.constant 0 : i32
      %dma_wait3A_623 = tpu.memref_slice %arg2[%dma_wait3A_622, %multiple_of3A_118] : memref<16x1000000xf32, #tpu.memory_space<hbm>> -> memref<16x128xf32, #tpu.memory_space<hbm>>
      %dma_wait3A_624 = arith.constant 0 : i32
      %dma_wait3A_625 = arith.constant 768 : i32
      %dma_wait3A_626 = tpu.memref_slice %arg7[%dma_wait3A_624, %dma_wait3A_625] : memref<16x2048xf32, #tpu.memory_space<vmem>> -> memref<16x128xf32, #tpu.memory_space<vmem>>
      %dma_wait3A_627 = arith.constant 0 : i32
      %dma_wait3A_628 = tpu.memref_slice %arg2[%dma_wait3A_627, %multiple_of3A_118] : memref<16x1000000xf32, #tpu.memory_space<hbm>> -> memref<16x128xf32, #tpu.memory_space<hbm>>
      tpu.wait_dma2 semaphore(%arg9 : memref<!tpu.dma_semaphore, #tpu.memory_space<semaphore_mem>>) src(%dma_wait3A_628 : memref<16x128xf32, #tpu.memory_space<hbm>>) dst(%dma_wait3A_626 : memref<16x128xf32, #tpu.memory_space<vmem>>)
      %dma_wait3A_629 = arith.constant 0 : i32
      %dma_wait3A_630 = arith.constant 896 : i32
      %dma_wait3A_631 = tpu.memref_slice %arg7[%dma_wait3A_629, %dma_wait3A_630] : memref<16x2048xf32, #tpu.memory_space<vmem>> -> memref<16x128xf32, #tpu.memory_space<vmem>>
      %dma_wait3A_632 = arith.constant 0 : i32
      %dma_wait3A_633 = tpu.memref_slice %arg2[%dma_wait3A_632, %multiple_of3A_135] : memref<16x1000000xf32, #tpu.memory_space<hbm>> -> memref<16x128xf32, #tpu.memory_space<hbm>>
      %dma_wait3A_634 = arith.constant 0 : i32
      %dma_wait3A_635 = arith.constant 896 : i32
      %dma_wait3A_636 = tpu.memref_slice %arg7[%dma_wait3A_634, %dma_wait3A_635] : memref<16x2048xf32, #tpu.memory_space<vmem>> -> memref<16x128xf32, #tpu.memory_space<vmem>>
      %dma_wait3A_637 = arith.constant 0 : i32
      %dma_wait3A_638 = tpu.memref_slice %arg2[%dma_wait3A_637, %multiple_of3A_135] : memref<16x1000000xf32, #tpu.memory_space<hbm>> -> memref<16x128xf32, #tpu.memory_space<hbm>>
      tpu.wait_dma2 semaphore(%arg9 : memref<!tpu.dma_semaphore, #tpu.memory_space<semaphore_mem>>) src(%dma_wait3A_638 : memref<16x128xf32, #tpu.memory_space<hbm>>) dst(%dma_wait3A_636 : memref<16x128xf32, #tpu.memory_space<vmem>>)
      %dma_wait3A_639 = arith.constant 0 : i32
      %dma_wait3A_640 = arith.constant 1024 : i32
      %dma_wait3A_641 = tpu.memref_slice %arg7[%dma_wait3A_639, %dma_wait3A_640] : memref<16x2048xf32, #tpu.memory_space<vmem>> -> memref<16x128xf32, #tpu.memory_space<vmem>>
      %dma_wait3A_642 = arith.constant 0 : i32
      %dma_wait3A_643 = tpu.memref_slice %arg2[%dma_wait3A_642, %multiple_of3A_152] : memref<16x1000000xf32, #tpu.memory_space<hbm>> -> memref<16x128xf32, #tpu.memory_space<hbm>>
      %dma_wait3A_644 = arith.constant 0 : i32
      %dma_wait3A_645 = arith.constant 1024 : i32
      %dma_wait3A_646 = tpu.memref_slice %arg7[%dma_wait3A_644, %dma_wait3A_645] : memref<16x2048xf32, #tpu.memory_space<vmem>> -> memref<16x128xf32, #tpu.memory_space<vmem>>
      %dma_wait3A_647 = arith.constant 0 : i32
      %dma_wait3A_648 = tpu.memref_slice %arg2[%dma_wait3A_647, %multiple_of3A_152] : memref<16x1000000xf32, #tpu.memory_space<hbm>> -> memref<16x128xf32, #tpu.memory_space<hbm>>
      tpu.wait_dma2 semaphore(%arg9 : memref<!tpu.dma_semaphore, #tpu.memory_space<semaphore_mem>>) src(%dma_wait3A_648 : memref<16x128xf32, #tpu.memory_space<hbm>>) dst(%dma_wait3A_646 : memref<16x128xf32, #tpu.memory_space<vmem>>)
      %dma_wait3A_649 = arith.constant 0 : i32
      %dma_wait3A_650 = arith.constant 1152 : i32
      %dma_wait3A_651 = tpu.memref_slice %arg7[%dma_wait3A_649, %dma_wait3A_650] : memref<16x2048xf32, #tpu.memory_space<vmem>> -> memref<16x128xf32, #tpu.memory_space<vmem>>
      %dma_wait3A_652 = arith.constant 0 : i32
      %dma_wait3A_653 = tpu.memref_slice %arg2[%dma_wait3A_652, %multiple_of3A_169] : memref<16x1000000xf32, #tpu.memory_space<hbm>> -> memref<16x128xf32, #tpu.memory_space<hbm>>
      %dma_wait3A_654 = arith.constant 0 : i32
      %dma_wait3A_655 = arith.constant 1152 : i32
      %dma_wait3A_656 = tpu.memref_slice %arg7[%dma_wait3A_654, %dma_wait3A_655] : memref<16x2048xf32, #tpu.memory_space<vmem>> -> memref<16x128xf32, #tpu.memory_space<vmem>>
      %dma_wait3A_657 = arith.constant 0 : i32
      %dma_wait3A_658 = tpu.memref_slice %arg2[%dma_wait3A_657, %multiple_of3A_169] : memref<16x1000000xf32, #tpu.memory_space<hbm>> -> memref<16x128xf32, #tpu.memory_space<hbm>>
      tpu.wait_dma2 semaphore(%arg9 : memref<!tpu.dma_semaphore, #tpu.memory_space<semaphore_mem>>) src(%dma_wait3A_658 : memref<16x128xf32, #tpu.memory_space<hbm>>) dst(%dma_wait3A_656 : memref<16x128xf32, #tpu.memory_space<vmem>>)
      %dma_wait3A_659 = arith.constant 0 : i32
      %dma_wait3A_660 = arith.constant 1280 : i32
      %dma_wait3A_661 = tpu.memref_slice %arg7[%dma_wait3A_659, %dma_wait3A_660] : memref<16x2048xf32, #tpu.memory_space<vmem>> -> memref<16x128xf32, #tpu.memory_space<vmem>>
      %dma_wait3A_662 = arith.constant 0 : i32
      %dma_wait3A_663 = tpu.memref_slice %arg2[%dma_wait3A_662, %multiple_of3A_186] : memref<16x1000000xf32, #tpu.memory_space<hbm>> -> memref<16x128xf32, #tpu.memory_space<hbm>>
      %dma_wait3A_664 = arith.constant 0 : i32
      %dma_wait3A_665 = arith.constant 1280 : i32
      %dma_wait3A_666 = tpu.memref_slice %arg7[%dma_wait3A_664, %dma_wait3A_665] : memref<16x2048xf32, #tpu.memory_space<vmem>> -> memref<16x128xf32, #tpu.memory_space<vmem>>
      %dma_wait3A_667 = arith.constant 0 : i32
      %dma_wait3A_668 = tpu.memref_slice %arg2[%dma_wait3A_667, %multiple_of3A_186] : memref<16x1000000xf32, #tpu.memory_space<hbm>> -> memref<16x128xf32, #tpu.memory_space<hbm>>
      tpu.wait_dma2 semaphore(%arg9 : memref<!tpu.dma_semaphore, #tpu.memory_space<semaphore_mem>>) src(%dma_wait3A_668 : memref<16x128xf32, #tpu.memory_space<hbm>>) dst(%dma_wait3A_666 : memref<16x128xf32, #tpu.memory_space<vmem>>)
      %dma_wait3A_669 = arith.constant 0 : i32
      %dma_wait3A_670 = arith.constant 1408 : i32
      %dma_wait3A_671 = tpu.memref_slice %arg7[%dma_wait3A_669, %dma_wait3A_670] : memref<16x2048xf32, #tpu.memory_space<vmem>> -> memref<16x128xf32, #tpu.memory_space<vmem>>
      %dma_wait3A_672 = arith.constant 0 : i32
      %dma_wait3A_673 = tpu.memref_slice %arg2[%dma_wait3A_672, %multiple_of3A_203] : memref<16x1000000xf32, #tpu.memory_space<hbm>> -> memref<16x128xf32, #tpu.memory_space<hbm>>
      %dma_wait3A_674 = arith.constant 0 : i32
      %dma_wait3A_675 = arith.constant 1408 : i32
      %dma_wait3A_676 = tpu.memref_slice %arg7[%dma_wait3A_674, %dma_wait3A_675] : memref<16x2048xf32, #tpu.memory_space<vmem>> -> memref<16x128xf32, #tpu.memory_space<vmem>>
      %dma_wait3A_677 = arith.constant 0 : i32
      %dma_wait3A_678 = tpu.memref_slice %arg2[%dma_wait3A_677, %multiple_of3A_203] : memref<16x1000000xf32, #tpu.memory_space<hbm>> -> memref<16x128xf32, #tpu.memory_space<hbm>>
      tpu.wait_dma2 semaphore(%arg9 : memref<!tpu.dma_semaphore, #tpu.memory_space<semaphore_mem>>) src(%dma_wait3A_678 : memref<16x128xf32, #tpu.memory_space<hbm>>) dst(%dma_wait3A_676 : memref<16x128xf32, #tpu.memory_space<vmem>>)
      %dma_wait3A_679 = arith.constant 0 : i32
      %dma_wait3A_680 = arith.constant 1536 : i32
      %dma_wait3A_681 = tpu.memref_slice %arg7[%dma_wait3A_679, %dma_wait3A_680] : memref<16x2048xf32, #tpu.memory_space<vmem>> -> memref<16x128xf32, #tpu.memory_space<vmem>>
      %dma_wait3A_682 = arith.constant 0 : i32
      %dma_wait3A_683 = tpu.memref_slice %arg2[%dma_wait3A_682, %multiple_of3A_220] : memref<16x1000000xf32, #tpu.memory_space<hbm>> -> memref<16x128xf32, #tpu.memory_space<hbm>>
      %dma_wait3A_684 = arith.constant 0 : i32
      %dma_wait3A_685 = arith.constant 1536 : i32
      %dma_wait3A_686 = tpu.memref_slice %arg7[%dma_wait3A_684, %dma_wait3A_685] : memref<16x2048xf32, #tpu.memory_space<vmem>> -> memref<16x128xf32, #tpu.memory_space<vmem>>
      %dma_wait3A_687 = arith.constant 0 : i32
      %dma_wait3A_688 = tpu.memref_slice %arg2[%dma_wait3A_687, %multiple_of3A_220] : memref<16x1000000xf32, #tpu.memory_space<hbm>> -> memref<16x128xf32, #tpu.memory_space<hbm>>
      tpu.wait_dma2 semaphore(%arg9 : memref<!tpu.dma_semaphore, #tpu.memory_space<semaphore_mem>>) src(%dma_wait3A_688 : memref<16x128xf32, #tpu.memory_space<hbm>>) dst(%dma_wait3A_686 : memref<16x128xf32, #tpu.memory_space<vmem>>)
      %dma_wait3A_689 = arith.constant 0 : i32
      %dma_wait3A_690 = arith.constant 1664 : i32
      %dma_wait3A_691 = tpu.memref_slice %arg7[%dma_wait3A_689, %dma_wait3A_690] : memref<16x2048xf32, #tpu.memory_space<vmem>> -> memref<16x128xf32, #tpu.memory_space<vmem>>
      %dma_wait3A_692 = arith.constant 0 : i32
      %dma_wait3A_693 = tpu.memref_slice %arg2[%dma_wait3A_692, %multiple_of3A_237] : memref<16x1000000xf32, #tpu.memory_space<hbm>> -> memref<16x128xf32, #tpu.memory_space<hbm>>
      %dma_wait3A_694 = arith.constant 0 : i32
      %dma_wait3A_695 = arith.constant 1664 : i32
      %dma_wait3A_696 = tpu.memref_slice %arg7[%dma_wait3A_694, %dma_wait3A_695] : memref<16x2048xf32, #tpu.memory_space<vmem>> -> memref<16x128xf32, #tpu.memory_space<vmem>>
      %dma_wait3A_697 = arith.constant 0 : i32
      %dma_wait3A_698 = tpu.memref_slice %arg2[%dma_wait3A_697, %multiple_of3A_237] : memref<16x1000000xf32, #tpu.memory_space<hbm>> -> memref<16x128xf32, #tpu.memory_space<hbm>>
      tpu.wait_dma2 semaphore(%arg9 : memref<!tpu.dma_semaphore, #tpu.memory_space<semaphore_mem>>) src(%dma_wait3A_698 : memref<16x128xf32, #tpu.memory_space<hbm>>) dst(%dma_wait3A_696 : memref<16x128xf32, #tpu.memory_space<vmem>>)
      %dma_wait3A_699 = arith.constant 0 : i32
      %dma_wait3A_700 = arith.constant 1792 : i32
      %dma_wait3A_701 = tpu.memref_slice %arg7[%dma_wait3A_699, %dma_wait3A_700] : memref<16x2048xf32, #tpu.memory_space<vmem>> -> memref<16x128xf32, #tpu.memory_space<vmem>>
      %dma_wait3A_702 = arith.constant 0 : i32
      %dma_wait3A_703 = tpu.memref_slice %arg2[%dma_wait3A_702, %multiple_of3A_254] : memref<16x1000000xf32, #tpu.memory_space<hbm>> -> memref<16x128xf32, #tpu.memory_space<hbm>>
      %dma_wait3A_704 = arith.constant 0 : i32
      %dma_wait3A_705 = arith.constant 1792 : i32
      %dma_wait3A_706 = tpu.memref_slice %arg7[%dma_wait3A_704, %dma_wait3A_705] : memref<16x2048xf32, #tpu.memory_space<vmem>> -> memref<16x128xf32, #tpu.memory_space<vmem>>
      %dma_wait3A_707 = arith.constant 0 : i32
      %dma_wait3A_708 = tpu.memref_slice %arg2[%dma_wait3A_707, %multiple_of3A_254] : memref<16x1000000xf32, #tpu.memory_space<hbm>> -> memref<16x128xf32, #tpu.memory_space<hbm>>
      tpu.wait_dma2 semaphore(%arg9 : memref<!tpu.dma_semaphore, #tpu.memory_space<semaphore_mem>>) src(%dma_wait3A_708 : memref<16x128xf32, #tpu.memory_space<hbm>>) dst(%dma_wait3A_706 : memref<16x128xf32, #tpu.memory_space<vmem>>)
      %dma_wait3A_709 = arith.constant 0 : i32
      %dma_wait3A_710 = arith.constant 1920 : i32
      %dma_wait3A_711 = tpu.memref_slice %arg7[%dma_wait3A_709, %dma_wait3A_710] : memref<16x2048xf32, #tpu.memory_space<vmem>> -> memref<16x128xf32, #tpu.memory_space<vmem>>
      %dma_wait3A_712 = arith.constant 0 : i32
      %dma_wait3A_713 = tpu.memref_slice %arg2[%dma_wait3A_712, %multiple_of3A_271] : memref<16x1000000xf32, #tpu.memory_space<hbm>> -> memref<16x128xf32, #tpu.memory_space<hbm>>
      %dma_wait3A_714 = arith.constant 0 : i32
      %dma_wait3A_715 = arith.constant 1920 : i32
      %dma_wait3A_716 = tpu.memref_slice %arg7[%dma_wait3A_714, %dma_wait3A_715] : memref<16x2048xf32, #tpu.memory_space<vmem>> -> memref<16x128xf32, #tpu.memory_space<vmem>>
      %dma_wait3A_717 = arith.constant 0 : i32
      %dma_wait3A_718 = tpu.memref_slice %arg2[%dma_wait3A_717, %multiple_of3A_271] : memref<16x1000000xf32, #tpu.memory_space<hbm>> -> memref<16x128xf32, #tpu.memory_space<hbm>>
      tpu.wait_dma2 semaphore(%arg9 : memref<!tpu.dma_semaphore, #tpu.memory_space<semaphore_mem>>) src(%dma_wait3A_718 : memref<16x128xf32, #tpu.memory_space<hbm>>) dst(%dma_wait3A_716 : memref<16x128xf32, #tpu.memory_space<vmem>>)
      %and3A = arith.constant 127 : i32
      %and3A_719 = vector.broadcast %and3A : i32 to vector<16xi32>
      %and3A_720 = arith.andi %get3A_15, %and3A_719 : vector<16xi32>
      %mul3A_721 = arith.constant 128 : i32
      %mul3A_722 = vector.broadcast %mul3A_721 : i32 to vector<16xi32>
      %mul3A_723 = arith.muli %iota3A, %mul3A_722 : vector<16xi32>
      %add3A_724 = arith.addi %and3A_720, %mul3A_723 : vector<16xi32>
      %mul3A_725 = arith.constant 16 : i32
      %mul3A_726 = arith.muli %mul3A_12, %mul3A_725 : i32
      %add3A_727 = vector.broadcast %mul3A_726 : i32 to vector<16xi32>
      %add3A_728 = arith.addi %add3A_727, %iota3A : vector<16xi32>
      %broadcast_in_dim3A = arith.constant 0 : i32
      %broadcast_in_dim3A_729 = vector.broadcast %broadcast_in_dim3A : i32 to vector<16xi32>
      %gather3A = tpu.vector_load_idx %arg7[%broadcast_in_dim3A_729, %add3A_724] : memref<16x2048xf32, #tpu.memory_space<vmem>>[vector<16xi32>, vector<16xi32>], vector<16xf32>,
      tpu.vector_store_idx %arg6[%broadcast_in_dim3A_729, %add3A_728], %gather3A : memref<16x512xf32, #tpu.memory_space<vmem>>[vector<16xi32>, vector<16xi32>], vector<16xf32>,
      %broadcast_in_dim3A_730 = arith.constant 1 : i32
      %broadcast_in_dim3A_731 = vector.broadcast %broadcast_in_dim3A_730 : i32 to vector<16xi32>
      %gather3A_732 = tpu.vector_load_idx %arg7[%broadcast_in_dim3A_731, %add3A_724] : memref<16x2048xf32, #tpu.memory_space<vmem>>[vector<16xi32>, vector<16xi32>], vector<16xf32>,
      tpu.vector_store_idx %arg6[%broadcast_in_dim3A_731, %add3A_728], %gather3A_732 : memref<16x512xf32, #tpu.memory_space<vmem>>[vector<16xi32>, vector<16xi32>], vector<16xf32>,
      %broadcast_in_dim3A_733 = arith.constant 2 : i32
      %broadcast_in_dim3A_734 = vector.broadcast %broadcast_in_dim3A_733 : i32 to vector<16xi32>
      %gather3A_735 = tpu.vector_load_idx %arg7[%broadcast_in_dim3A_734, %add3A_724] : memref<16x2048xf32, #tpu.memory_space<vmem>>[vector<16xi32>, vector<16xi32>], vector<16xf32>,
      tpu.vector_store_idx %arg6[%broadcast_in_dim3A_734, %add3A_728], %gather3A_735 : memref<16x512xf32, #tpu.memory_space<vmem>>[vector<16xi32>, vector<16xi32>], vector<16xf32>,
      %broadcast_in_dim3A_736 = arith.constant 3 : i32
      %broadcast_in_dim3A_737 = vector.broadcast %broadcast_in_dim3A_736 : i32 to vector<16xi32>
      %gather3A_738 = tpu.vector_load_idx %arg7[%broadcast_in_dim3A_737, %add3A_724] : memref<16x2048xf32, #tpu.memory_space<vmem>>[vector<16xi32>, vector<16xi32>], vector<16xf32>,
      tpu.vector_store_idx %arg6[%broadcast_in_dim3A_737, %add3A_728], %gather3A_738 : memref<16x512xf32, #tpu.memory_space<vmem>>[vector<16xi32>, vector<16xi32>], vector<16xf32>,
      %broadcast_in_dim3A_739 = arith.constant 4 : i32
      %broadcast_in_dim3A_740 = vector.broadcast %broadcast_in_dim3A_739 : i32 to vector<16xi32>
      %gather3A_741 = tpu.vector_load_idx %arg7[%broadcast_in_dim3A_740, %add3A_724] : memref<16x2048xf32, #tpu.memory_space<vmem>>[vector<16xi32>, vector<16xi32>], vector<16xf32>,
      tpu.vector_store_idx %arg6[%broadcast_in_dim3A_740, %add3A_728], %gather3A_741 : memref<16x512xf32, #tpu.memory_space<vmem>>[vector<16xi32>, vector<16xi32>], vector<16xf32>,
      %broadcast_in_dim3A_742 = arith.constant 5 : i32
      %broadcast_in_dim3A_743 = vector.broadcast %broadcast_in_dim3A_742 : i32 to vector<16xi32>
      %gather3A_744 = tpu.vector_load_idx %arg7[%broadcast_in_dim3A_743, %add3A_724] : memref<16x2048xf32, #tpu.memory_space<vmem>>[vector<16xi32>, vector<16xi32>], vector<16xf32>,
      tpu.vector_store_idx %arg6[%broadcast_in_dim3A_743, %add3A_728], %gather3A_744 : memref<16x512xf32, #tpu.memory_space<vmem>>[vector<16xi32>, vector<16xi32>], vector<16xf32>,
      %broadcast_in_dim3A_745 = arith.constant 6 : i32
      %broadcast_in_dim3A_746 = vector.broadcast %broadcast_in_dim3A_745 : i32 to vector<16xi32>
      %gather3A_747 = tpu.vector_load_idx %arg7[%broadcast_in_dim3A_746, %add3A_724] : memref<16x2048xf32, #tpu.memory_space<vmem>>[vector<16xi32>, vector<16xi32>], vector<16xf32>,
      tpu.vector_store_idx %arg6[%broadcast_in_dim3A_746, %add3A_728], %gather3A_747 : memref<16x512xf32, #tpu.memory_space<vmem>>[vector<16xi32>, vector<16xi32>], vector<16xf32>,
      %broadcast_in_dim3A_748 = arith.constant 7 : i32
      %broadcast_in_dim3A_749 = vector.broadcast %broadcast_in_dim3A_748 : i32 to vector<16xi32>
      %gather3A_750 = tpu.vector_load_idx %arg7[%broadcast_in_dim3A_749, %add3A_724] : memref<16x2048xf32, #tpu.memory_space<vmem>>[vector<16xi32>, vector<16xi32>], vector<16xf32>,
      tpu.vector_store_idx %arg6[%broadcast_in_dim3A_749, %add3A_728], %gather3A_750 : memref<16x512xf32, #tpu.memory_space<vmem>>[vector<16xi32>, vector<16xi32>], vector<16xf32>,
      %broadcast_in_dim3A_751 = arith.constant 8 : i32
      %broadcast_in_dim3A_752 = vector.broadcast %broadcast_in_dim3A_751 : i32 to vector<16xi32>
      %gather3A_753 = tpu.vector_load_idx %arg7[%broadcast_in_dim3A_752, %add3A_724] : memref<16x2048xf32, #tpu.memory_space<vmem>>[vector<16xi32>, vector<16xi32>], vector<16xf32>,
      tpu.vector_store_idx %arg6[%broadcast_in_dim3A_752, %add3A_728], %gather3A_753 : memref<16x512xf32, #tpu.memory_space<vmem>>[vector<16xi32>, vector<16xi32>], vector<16xf32>,
      %broadcast_in_dim3A_754 = arith.constant 9 : i32
      %broadcast_in_dim3A_755 = vector.broadcast %broadcast_in_dim3A_754 : i32 to vector<16xi32>
      %gather3A_756 = tpu.vector_load_idx %arg7[%broadcast_in_dim3A_755, %add3A_724] : memref<16x2048xf32, #tpu.memory_space<vmem>>[vector<16xi32>, vector<16xi32>], vector<16xf32>,
      tpu.vector_store_idx %arg6[%broadcast_in_dim3A_755, %add3A_728], %gather3A_756 : memref<16x512xf32, #tpu.memory_space<vmem>>[vector<16xi32>, vector<16xi32>], vector<16xf32>,
      %broadcast_in_dim3A_757 = arith.constant 10 : i32
      %broadcast_in_dim3A_758 = vector.broadcast %broadcast_in_dim3A_757 : i32 to vector<16xi32>
      %gather3A_759 = tpu.vector_load_idx %arg7[%broadcast_in_dim3A_758, %add3A_724] : memref<16x2048xf32, #tpu.memory_space<vmem>>[vector<16xi32>, vector<16xi32>], vector<16xf32>,
      tpu.vector_store_idx %arg6[%broadcast_in_dim3A_758, %add3A_728], %gather3A_759 : memref<16x512xf32, #tpu.memory_space<vmem>>[vector<16xi32>, vector<16xi32>], vector<16xf32>,
      %broadcast_in_dim3A_760 = arith.constant 11 : i32
      %broadcast_in_dim3A_761 = vector.broadcast %broadcast_in_dim3A_760 : i32 to vector<16xi32>
      %gather3A_762 = tpu.vector_load_idx %arg7[%broadcast_in_dim3A_761, %add3A_724] : memref<16x2048xf32, #tpu.memory_space<vmem>>[vector<16xi32>, vector<16xi32>], vector<16xf32>,
      tpu.vector_store_idx %arg6[%broadcast_in_dim3A_761, %add3A_728], %gather3A_762 : memref<16x512xf32, #tpu.memory_space<vmem>>[vector<16xi32>, vector<16xi32>], vector<16xf32>,
      %broadcast_in_dim3A_763 = arith.constant 12 : i32
      %broadcast_in_dim3A_764 = vector.broadcast %broadcast_in_dim3A_763 : i32 to vector<16xi32>
      %gather3A_765 = tpu.vector_load_idx %arg7[%broadcast_in_dim3A_764, %add3A_724] : memref<16x2048xf32, #tpu.memory_space<vmem>>[vector<16xi32>, vector<16xi32>], vector<16xf32>,
      tpu.vector_store_idx %arg6[%broadcast_in_dim3A_764, %add3A_728], %gather3A_765 : memref<16x512xf32, #tpu.memory_space<vmem>>[vector<16xi32>, vector<16xi32>], vector<16xf32>,
      %broadcast_in_dim3A_766 = arith.constant 13 : i32
      %broadcast_in_dim3A_767 = vector.broadcast %broadcast_in_dim3A_766 : i32 to vector<16xi32>
      %gather3A_768 = tpu.vector_load_idx %arg7[%broadcast_in_dim3A_767, %add3A_724] : memref<16x2048xf32, #tpu.memory_space<vmem>>[vector<16xi32>, vector<16xi32>], vector<16xf32>,
      tpu.vector_store_idx %arg6[%broadcast_in_dim3A_767, %add3A_728], %gather3A_768 : memref<16x512xf32, #tpu.memory_space<vmem>>[vector<16xi32>, vector<16xi32>], vector<16xf32>,
      %broadcast_in_dim3A_769 = arith.constant 14 : i32
      %broadcast_in_dim3A_770 = vector.broadcast %broadcast_in_dim3A_769 : i32 to vector<16xi32>
      %gather3A_771 = tpu.vector_load_idx %arg7[%broadcast_in_dim3A_770, %add3A_724] : memref<16x2048xf32, #tpu.memory_space<vmem>>[vector<16xi32>, vector<16xi32>], vector<16xf32>,
      tpu.vector_store_idx %arg6[%broadcast_in_dim3A_770, %add3A_728], %gather3A_771 : memref<16x512xf32, #tpu.memory_space<vmem>>[vector<16xi32>, vector<16xi32>], vector<16xf32>,
      %broadcast_in_dim3A_772 = arith.constant 15 : i32
      %broadcast_in_dim3A_773 = vector.broadcast %broadcast_in_dim3A_772 : i32 to vector<16xi32>
      %gather3A_774 = tpu.vector_load_idx %arg7[%broadcast_in_dim3A_773, %add3A_724] : memref<16x2048xf32, #tpu.memory_space<vmem>>[vector<16xi32>, vector<16xi32>], vector<16xf32>,
      tpu.vector_store_idx %arg6[%broadcast_in_dim3A_773, %add3A_728], %gather3A_774 : memref<16x512xf32, #tpu.memory_space<vmem>>[vector<16xi32>, vector<16xi32>], vector<16xf32>,
      %add3A_775 = arith.constant 1 : i32
      %add3A_776 = arith.addi %mul3A_12, %add3A_775 : i32
      %dma_wait3A_777 = arith.constant 0 : i32
      %dma_wait3A_778 = arith.constant 0 : i32
      %dma_wait3A_779 = tpu.memref_slice %arg8[%dma_wait3A_777, %dma_wait3A_778] : memref<16x2048xf32, #tpu.memory_space<vmem>> -> memref<16x128xf32, #tpu.memory_space<vmem>>
      %dma_wait3A_780 = arith.constant 0 : i32
      %dma_wait3A_781 = tpu.memref_slice %arg2[%dma_wait3A_780, %multiple_of3A_294] : memref<16x1000000xf32, #tpu.memory_space<hbm>> -> memref<16x128xf32, #tpu.memory_space<hbm>>
      %dma_wait3A_782 = arith.constant 0 : i32
      %dma_wait3A_783 = arith.constant 0 : i32
      %dma_wait3A_784 = tpu.memref_slice %arg8[%dma_wait3A_782, %dma_wait3A_783] : memref<16x2048xf32, #tpu.memory_space<vmem>> -> memref<16x128xf32, #tpu.memory_space<vmem>>
      %dma_wait3A_785 = arith.constant 0 : i32
      %dma_wait3A_786 = tpu.memref_slice %arg2[%dma_wait3A_785, %multiple_of3A_294] : memref<16x1000000xf32, #tpu.memory_space<hbm>> -> memref<16x128xf32, #tpu.memory_space<hbm>>
      tpu.wait_dma2 semaphore(%arg10 : memref<!tpu.dma_semaphore, #tpu.memory_space<semaphore_mem>>) src(%dma_wait3A_786 : memref<16x128xf32, #tpu.memory_space<hbm>>) dst(%dma_wait3A_784 : memref<16x128xf32, #tpu.memory_space<vmem>>)
      %dma_wait3A_787 = arith.constant 0 : i32
      %dma_wait3A_788 = arith.constant 128 : i32
      %dma_wait3A_789 = tpu.memref_slice %arg8[%dma_wait3A_787, %dma_wait3A_788] : memref<16x2048xf32, #tpu.memory_space<vmem>> -> memref<16x128xf32, #tpu.memory_space<vmem>>
      %dma_wait3A_790 = arith.constant 0 : i32
      %dma_wait3A_791 = tpu.memref_slice %arg2[%dma_wait3A_790, %multiple_of3A_311] : memref<16x1000000xf32, #tpu.memory_space<hbm>> -> memref<16x128xf32, #tpu.memory_space<hbm>>
      %dma_wait3A_792 = arith.constant 0 : i32
      %dma_wait3A_793 = arith.constant 128 : i32
      %dma_wait3A_794 = tpu.memref_slice %arg8[%dma_wait3A_792, %dma_wait3A_793] : memref<16x2048xf32, #tpu.memory_space<vmem>> -> memref<16x128xf32, #tpu.memory_space<vmem>>
      %dma_wait3A_795 = arith.constant 0 : i32
      %dma_wait3A_796 = tpu.memref_slice %arg2[%dma_wait3A_795, %multiple_of3A_311] : memref<16x1000000xf32, #tpu.memory_space<hbm>> -> memref<16x128xf32, #tpu.memory_space<hbm>>
      tpu.wait_dma2 semaphore(%arg10 : memref<!tpu.dma_semaphore, #tpu.memory_space<semaphore_mem>>) src(%dma_wait3A_796 : memref<16x128xf32, #tpu.memory_space<hbm>>) dst(%dma_wait3A_794 : memref<16x128xf32, #tpu.memory_space<vmem>>)
      %dma_wait3A_797 = arith.constant 0 : i32
      %dma_wait3A_798 = arith.constant 256 : i32
      %dma_wait3A_799 = tpu.memref_slice %arg8[%dma_wait3A_797, %dma_wait3A_798] : memref<16x2048xf32, #tpu.memory_space<vmem>> -> memref<16x128xf32, #tpu.memory_space<vmem>>
      %dma_wait3A_800 = arith.constant 0 : i32
      %dma_wait3A_801 = tpu.memref_slice %arg2[%dma_wait3A_800, %multiple_of3A_328] : memref<16x1000000xf32, #tpu.memory_space<hbm>> -> memref<16x128xf32, #tpu.memory_space<hbm>>
      %dma_wait3A_802 = arith.constant 0 : i32
      %dma_wait3A_803 = arith.constant 256 : i32
      %dma_wait3A_804 = tpu.memref_slice %arg8[%dma_wait3A_802, %dma_wait3A_803] : memref<16x2048xf32, #tpu.memory_space<vmem>> -> memref<16x128xf32, #tpu.memory_space<vmem>>
      %dma_wait3A_805 = arith.constant 0 : i32
      %dma_wait3A_806 = tpu.memref_slice %arg2[%dma_wait3A_805, %multiple_of3A_328] : memref<16x1000000xf32, #tpu.memory_space<hbm>> -> memref<16x128xf32, #tpu.memory_space<hbm>>
      tpu.wait_dma2 semaphore(%arg10 : memref<!tpu.dma_semaphore, #tpu.memory_space<semaphore_mem>>) src(%dma_wait3A_806 : memref<16x128xf32, #tpu.memory_space<hbm>>) dst(%dma_wait3A_804 : memref<16x128xf32, #tpu.memory_space<vmem>>)
      %dma_wait3A_807 = arith.constant 0 : i32
      %dma_wait3A_808 = arith.constant 384 : i32
      %dma_wait3A_809 = tpu.memref_slice %arg8[%dma_wait3A_807, %dma_wait3A_808] : memref<16x2048xf32, #tpu.memory_space<vmem>> -> memref<16x128xf32, #tpu.memory_space<vmem>>
      %dma_wait3A_810 = arith.constant 0 : i32
      %dma_wait3A_811 = tpu.memref_slice %arg2[%dma_wait3A_810, %multiple_of3A_345] : memref<16x1000000xf32, #tpu.memory_space<hbm>> -> memref<16x128xf32, #tpu.memory_space<hbm>>
      %dma_wait3A_812 = arith.constant 0 : i32
      %dma_wait3A_813 = arith.constant 384 : i32
      %dma_wait3A_814 = tpu.memref_slice %arg8[%dma_wait3A_812, %dma_wait3A_813] : memref<16x2048xf32, #tpu.memory_space<vmem>> -> memref<16x128xf32, #tpu.memory_space<vmem>>
      %dma_wait3A_815 = arith.constant 0 : i32
      %dma_wait3A_816 = tpu.memref_slice %arg2[%dma_wait3A_815, %multiple_of3A_345] : memref<16x1000000xf32, #tpu.memory_space<hbm>> -> memref<16x128xf32, #tpu.memory_space<hbm>>
      tpu.wait_dma2 semaphore(%arg10 : memref<!tpu.dma_semaphore, #tpu.memory_space<semaphore_mem>>) src(%dma_wait3A_816 : memref<16x128xf32, #tpu.memory_space<hbm>>) dst(%dma_wait3A_814 : memref<16x128xf32, #tpu.memory_space<vmem>>)
      %dma_wait3A_817 = arith.constant 0 : i32
      %dma_wait3A_818 = arith.constant 512 : i32
      %dma_wait3A_819 = tpu.memref_slice %arg8[%dma_wait3A_817, %dma_wait3A_818] : memref<16x2048xf32, #tpu.memory_space<vmem>> -> memref<16x128xf32, #tpu.memory_space<vmem>>
      %dma_wait3A_820 = arith.constant 0 : i32
      %dma_wait3A_821 = tpu.memref_slice %arg2[%dma_wait3A_820, %multiple_of3A_362] : memref<16x1000000xf32, #tpu.memory_space<hbm>> -> memref<16x128xf32, #tpu.memory_space<hbm>>
      %dma_wait3A_822 = arith.constant 0 : i32
      %dma_wait3A_823 = arith.constant 512 : i32
      %dma_wait3A_824 = tpu.memref_slice %arg8[%dma_wait3A_822, %dma_wait3A_823] : memref<16x2048xf32, #tpu.memory_space<vmem>> -> memref<16x128xf32, #tpu.memory_space<vmem>>
      %dma_wait3A_825 = arith.constant 0 : i32
      %dma_wait3A_826 = tpu.memref_slice %arg2[%dma_wait3A_825, %multiple_of3A_362] : memref<16x1000000xf32, #tpu.memory_space<hbm>> -> memref<16x128xf32, #tpu.memory_space<hbm>>
      tpu.wait_dma2 semaphore(%arg10 : memref<!tpu.dma_semaphore, #tpu.memory_space<semaphore_mem>>) src(%dma_wait3A_826 : memref<16x128xf32, #tpu.memory_space<hbm>>) dst(%dma_wait3A_824 : memref<16x128xf32, #tpu.memory_space<vmem>>)
      %dma_wait3A_827 = arith.constant 0 : i32
      %dma_wait3A_828 = arith.constant 640 : i32
      %dma_wait3A_829 = tpu.memref_slice %arg8[%dma_wait3A_827, %dma_wait3A_828] : memref<16x2048xf32, #tpu.memory_space<vmem>> -> memref<16x128xf32, #tpu.memory_space<vmem>>
      %dma_wait3A_830 = arith.constant 0 : i32
      %dma_wait3A_831 = tpu.memref_slice %arg2[%dma_wait3A_830, %multiple_of3A_379] : memref<16x1000000xf32, #tpu.memory_space<hbm>> -> memref<16x128xf32, #tpu.memory_space<hbm>>
      %dma_wait3A_832 = arith.constant 0 : i32
      %dma_wait3A_833 = arith.constant 640 : i32
      %dma_wait3A_834 = tpu.memref_slice %arg8[%dma_wait3A_832, %dma_wait3A_833] : memref<16x2048xf32, #tpu.memory_space<vmem>> -> memref<16x128xf32, #tpu.memory_space<vmem>>
      %dma_wait3A_835 = arith.constant 0 : i32
      %dma_wait3A_836 = tpu.memref_slice %arg2[%dma_wait3A_835, %multiple_of3A_379] : memref<16x1000000xf32, #tpu.memory_space<hbm>> -> memref<16x128xf32, #tpu.memory_space<hbm>>
      tpu.wait_dma2 semaphore(%arg10 : memref<!tpu.dma_semaphore, #tpu.memory_space<semaphore_mem>>) src(%dma_wait3A_836 : memref<16x128xf32, #tpu.memory_space<hbm>>) dst(%dma_wait3A_834 : memref<16x128xf32, #tpu.memory_space<vmem>>)
      %dma_wait3A_837 = arith.constant 0 : i32
      %dma_wait3A_838 = arith.constant 768 : i32
      %dma_wait3A_839 = tpu.memref_slice %arg8[%dma_wait3A_837, %dma_wait3A_838] : memref<16x2048xf32, #tpu.memory_space<vmem>> -> memref<16x128xf32, #tpu.memory_space<vmem>>
      %dma_wait3A_840 = arith.constant 0 : i32
      %dma_wait3A_841 = tpu.memref_slice %arg2[%dma_wait3A_840, %multiple_of3A_396] : memref<16x1000000xf32, #tpu.memory_space<hbm>> -> memref<16x128xf32, #tpu.memory_space<hbm>>
      %dma_wait3A_842 = arith.constant 0 : i32
      %dma_wait3A_843 = arith.constant 768 : i32
      %dma_wait3A_844 = tpu.memref_slice %arg8[%dma_wait3A_842, %dma_wait3A_843] : memref<16x2048xf32, #tpu.memory_space<vmem>> -> memref<16x128xf32, #tpu.memory_space<vmem>>
      %dma_wait3A_845 = arith.constant 0 : i32
      %dma_wait3A_846 = tpu.memref_slice %arg2[%dma_wait3A_845, %multiple_of3A_396] : memref<16x1000000xf32, #tpu.memory_space<hbm>> -> memref<16x128xf32, #tpu.memory_space<hbm>>
      tpu.wait_dma2 semaphore(%arg10 : memref<!tpu.dma_semaphore, #tpu.memory_space<semaphore_mem>>) src(%dma_wait3A_846 : memref<16x128xf32, #tpu.memory_space<hbm>>) dst(%dma_wait3A_844 : memref<16x128xf32, #tpu.memory_space<vmem>>)
      %dma_wait3A_847 = arith.constant 0 : i32
      %dma_wait3A_848 = arith.constant 896 : i32
      %dma_wait3A_849 = tpu.memref_slice %arg8[%dma_wait3A_847, %dma_wait3A_848] : memref<16x2048xf32, #tpu.memory_space<vmem>> -> memref<16x128xf32, #tpu.memory_space<vmem>>
      %dma_wait3A_850 = arith.constant 0 : i32
      %dma_wait3A_851 = tpu.memref_slice %arg2[%dma_wait3A_850, %multiple_of3A_413] : memref<16x1000000xf32, #tpu.memory_space<hbm>> -> memref<16x128xf32, #tpu.memory_space<hbm>>
      %dma_wait3A_852 = arith.constant 0 : i32
      %dma_wait3A_853 = arith.constant 896 : i32
      %dma_wait3A_854 = tpu.memref_slice %arg8[%dma_wait3A_852, %dma_wait3A_853] : memref<16x2048xf32, #tpu.memory_space<vmem>> -> memref<16x128xf32, #tpu.memory_space<vmem>>
      %dma_wait3A_855 = arith.constant 0 : i32
      %dma_wait3A_856 = tpu.memref_slice %arg2[%dma_wait3A_855, %multiple_of3A_413] : memref<16x1000000xf32, #tpu.memory_space<hbm>> -> memref<16x128xf32, #tpu.memory_space<hbm>>
      tpu.wait_dma2 semaphore(%arg10 : memref<!tpu.dma_semaphore, #tpu.memory_space<semaphore_mem>>) src(%dma_wait3A_856 : memref<16x128xf32, #tpu.memory_space<hbm>>) dst(%dma_wait3A_854 : memref<16x128xf32, #tpu.memory_space<vmem>>)
      %dma_wait3A_857 = arith.constant 0 : i32
      %dma_wait3A_858 = arith.constant 1024 : i32
      %dma_wait3A_859 = tpu.memref_slice %arg8[%dma_wait3A_857, %dma_wait3A_858] : memref<16x2048xf32, #tpu.memory_space<vmem>> -> memref<16x128xf32, #tpu.memory_space<vmem>>
      %dma_wait3A_860 = arith.constant 0 : i32
      %dma_wait3A_861 = tpu.memref_slice %arg2[%dma_wait3A_860, %multiple_of3A_430] : memref<16x1000000xf32, #tpu.memory_space<hbm>> -> memref<16x128xf32, #tpu.memory_space<hbm>>
      %dma_wait3A_862 = arith.constant 0 : i32
      %dma_wait3A_863 = arith.constant 1024 : i32
      %dma_wait3A_864 = tpu.memref_slice %arg8[%dma_wait3A_862, %dma_wait3A_863] : memref<16x2048xf32, #tpu.memory_space<vmem>> -> memref<16x128xf32, #tpu.memory_space<vmem>>
      %dma_wait3A_865 = arith.constant 0 : i32
      %dma_wait3A_866 = tpu.memref_slice %arg2[%dma_wait3A_865, %multiple_of3A_430] : memref<16x1000000xf32, #tpu.memory_space<hbm>> -> memref<16x128xf32, #tpu.memory_space<hbm>>
      tpu.wait_dma2 semaphore(%arg10 : memref<!tpu.dma_semaphore, #tpu.memory_space<semaphore_mem>>) src(%dma_wait3A_866 : memref<16x128xf32, #tpu.memory_space<hbm>>) dst(%dma_wait3A_864 : memref<16x128xf32, #tpu.memory_space<vmem>>)
      %dma_wait3A_867 = arith.constant 0 : i32
      %dma_wait3A_868 = arith.constant 1152 : i32
      %dma_wait3A_869 = tpu.memref_slice %arg8[%dma_wait3A_867, %dma_wait3A_868] : memref<16x2048xf32, #tpu.memory_space<vmem>> -> memref<16x128xf32, #tpu.memory_space<vmem>>
      %dma_wait3A_870 = arith.constant 0 : i32
      %dma_wait3A_871 = tpu.memref_slice %arg2[%dma_wait3A_870, %multiple_of3A_447] : memref<16x1000000xf32, #tpu.memory_space<hbm>> -> memref<16x128xf32, #tpu.memory_space<hbm>>
      %dma_wait3A_872 = arith.constant 0 : i32
      %dma_wait3A_873 = arith.constant 1152 : i32
      %dma_wait3A_874 = tpu.memref_slice %arg8[%dma_wait3A_872, %dma_wait3A_873] : memref<16x2048xf32, #tpu.memory_space<vmem>> -> memref<16x128xf32, #tpu.memory_space<vmem>>
      %dma_wait3A_875 = arith.constant 0 : i32
      %dma_wait3A_876 = tpu.memref_slice %arg2[%dma_wait3A_875, %multiple_of3A_447] : memref<16x1000000xf32, #tpu.memory_space<hbm>> -> memref<16x128xf32, #tpu.memory_space<hbm>>
      tpu.wait_dma2 semaphore(%arg10 : memref<!tpu.dma_semaphore, #tpu.memory_space<semaphore_mem>>) src(%dma_wait3A_876 : memref<16x128xf32, #tpu.memory_space<hbm>>) dst(%dma_wait3A_874 : memref<16x128xf32, #tpu.memory_space<vmem>>)
      %dma_wait3A_877 = arith.constant 0 : i32
      %dma_wait3A_878 = arith.constant 1280 : i32
      %dma_wait3A_879 = tpu.memref_slice %arg8[%dma_wait3A_877, %dma_wait3A_878] : memref<16x2048xf32, #tpu.memory_space<vmem>> -> memref<16x128xf32, #tpu.memory_space<vmem>>
      %dma_wait3A_880 = arith.constant 0 : i32
      %dma_wait3A_881 = tpu.memref_slice %arg2[%dma_wait3A_880, %multiple_of3A_464] : memref<16x1000000xf32, #tpu.memory_space<hbm>> -> memref<16x128xf32, #tpu.memory_space<hbm>>
      %dma_wait3A_882 = arith.constant 0 : i32
      %dma_wait3A_883 = arith.constant 1280 : i32
      %dma_wait3A_884 = tpu.memref_slice %arg8[%dma_wait3A_882, %dma_wait3A_883] : memref<16x2048xf32, #tpu.memory_space<vmem>> -> memref<16x128xf32, #tpu.memory_space<vmem>>
      %dma_wait3A_885 = arith.constant 0 : i32
      %dma_wait3A_886 = tpu.memref_slice %arg2[%dma_wait3A_885, %multiple_of3A_464] : memref<16x1000000xf32, #tpu.memory_space<hbm>> -> memref<16x128xf32, #tpu.memory_space<hbm>>
      tpu.wait_dma2 semaphore(%arg10 : memref<!tpu.dma_semaphore, #tpu.memory_space<semaphore_mem>>) src(%dma_wait3A_886 : memref<16x128xf32, #tpu.memory_space<hbm>>) dst(%dma_wait3A_884 : memref<16x128xf32, #tpu.memory_space<vmem>>)
      %dma_wait3A_887 = arith.constant 0 : i32
      %dma_wait3A_888 = arith.constant 1408 : i32
      %dma_wait3A_889 = tpu.memref_slice %arg8[%dma_wait3A_887, %dma_wait3A_888] : memref<16x2048xf32, #tpu.memory_space<vmem>> -> memref<16x128xf32, #tpu.memory_space<vmem>>
      %dma_wait3A_890 = arith.constant 0 : i32
      %dma_wait3A_891 = tpu.memref_slice %arg2[%dma_wait3A_890, %multiple_of3A_481] : memref<16x1000000xf32, #tpu.memory_space<hbm>> -> memref<16x128xf32, #tpu.memory_space<hbm>>
      %dma_wait3A_892 = arith.constant 0 : i32
      %dma_wait3A_893 = arith.constant 1408 : i32
      %dma_wait3A_894 = tpu.memref_slice %arg8[%dma_wait3A_892, %dma_wait3A_893] : memref<16x2048xf32, #tpu.memory_space<vmem>> -> memref<16x128xf32, #tpu.memory_space<vmem>>
      %dma_wait3A_895 = arith.constant 0 : i32
      %dma_wait3A_896 = tpu.memref_slice %arg2[%dma_wait3A_895, %multiple_of3A_481] : memref<16x1000000xf32, #tpu.memory_space<hbm>> -> memref<16x128xf32, #tpu.memory_space<hbm>>
      tpu.wait_dma2 semaphore(%arg10 : memref<!tpu.dma_semaphore, #tpu.memory_space<semaphore_mem>>) src(%dma_wait3A_896 : memref<16x128xf32, #tpu.memory_space<hbm>>) dst(%dma_wait3A_894 : memref<16x128xf32, #tpu.memory_space<vmem>>)
      %dma_wait3A_897 = arith.constant 0 : i32
      %dma_wait3A_898 = arith.constant 1536 : i32
      %dma_wait3A_899 = tpu.memref_slice %arg8[%dma_wait3A_897, %dma_wait3A_898] : memref<16x2048xf32, #tpu.memory_space<vmem>> -> memref<16x128xf32, #tpu.memory_space<vmem>>
      %dma_wait3A_900 = arith.constant 0 : i32
      %dma_wait3A_901 = tpu.memref_slice %arg2[%dma_wait3A_900, %multiple_of3A_498] : memref<16x1000000xf32, #tpu.memory_space<hbm>> -> memref<16x128xf32, #tpu.memory_space<hbm>>
      %dma_wait3A_902 = arith.constant 0 : i32
      %dma_wait3A_903 = arith.constant 1536 : i32
      %dma_wait3A_904 = tpu.memref_slice %arg8[%dma_wait3A_902, %dma_wait3A_903] : memref<16x2048xf32, #tpu.memory_space<vmem>> -> memref<16x128xf32, #tpu.memory_space<vmem>>
      %dma_wait3A_905 = arith.constant 0 : i32
      %dma_wait3A_906 = tpu.memref_slice %arg2[%dma_wait3A_905, %multiple_of3A_498] : memref<16x1000000xf32, #tpu.memory_space<hbm>> -> memref<16x128xf32, #tpu.memory_space<hbm>>
      tpu.wait_dma2 semaphore(%arg10 : memref<!tpu.dma_semaphore, #tpu.memory_space<semaphore_mem>>) src(%dma_wait3A_906 : memref<16x128xf32, #tpu.memory_space<hbm>>) dst(%dma_wait3A_904 : memref<16x128xf32, #tpu.memory_space<vmem>>)
      %dma_wait3A_907 = arith.constant 0 : i32
      %dma_wait3A_908 = arith.constant 1664 : i32
      %dma_wait3A_909 = tpu.memref_slice %arg8[%dma_wait3A_907, %dma_wait3A_908] : memref<16x2048xf32, #tpu.memory_space<vmem>> -> memref<16x128xf32, #tpu.memory_space<vmem>>
      %dma_wait3A_910 = arith.constant 0 : i32
      %dma_wait3A_911 = tpu.memref_slice %arg2[%dma_wait3A_910, %multiple_of3A_515] : memref<16x1000000xf32, #tpu.memory_space<hbm>> -> memref<16x128xf32, #tpu.memory_space<hbm>>
      %dma_wait3A_912 = arith.constant 0 : i32
      %dma_wait3A_913 = arith.constant 1664 : i32
      %dma_wait3A_914 = tpu.memref_slice %arg8[%dma_wait3A_912, %dma_wait3A_913] : memref<16x2048xf32, #tpu.memory_space<vmem>> -> memref<16x128xf32, #tpu.memory_space<vmem>>
      %dma_wait3A_915 = arith.constant 0 : i32
      %dma_wait3A_916 = tpu.memref_slice %arg2[%dma_wait3A_915, %multiple_of3A_515] : memref<16x1000000xf32, #tpu.memory_space<hbm>> -> memref<16x128xf32, #tpu.memory_space<hbm>>
      tpu.wait_dma2 semaphore(%arg10 : memref<!tpu.dma_semaphore, #tpu.memory_space<semaphore_mem>>) src(%dma_wait3A_916 : memref<16x128xf32, #tpu.memory_space<hbm>>) dst(%dma_wait3A_914 : memref<16x128xf32, #tpu.memory_space<vmem>>)
      %dma_wait3A_917 = arith.constant 0 : i32
      %dma_wait3A_918 = arith.constant 1792 : i32
      %dma_wait3A_919 = tpu.memref_slice %arg8[%dma_wait3A_917, %dma_wait3A_918] : memref<16x2048xf32, #tpu.memory_space<vmem>> -> memref<16x128xf32, #tpu.memory_space<vmem>>
      %dma_wait3A_920 = arith.constant 0 : i32
      %dma_wait3A_921 = tpu.memref_slice %arg2[%dma_wait3A_920, %multiple_of3A_532] : memref<16x1000000xf32, #tpu.memory_space<hbm>> -> memref<16x128xf32, #tpu.memory_space<hbm>>
      %dma_wait3A_922 = arith.constant 0 : i32
      %dma_wait3A_923 = arith.constant 1792 : i32
      %dma_wait3A_924 = tpu.memref_slice %arg8[%dma_wait3A_922, %dma_wait3A_923] : memref<16x2048xf32, #tpu.memory_space<vmem>> -> memref<16x128xf32, #tpu.memory_space<vmem>>
      %dma_wait3A_925 = arith.constant 0 : i32
      %dma_wait3A_926 = tpu.memref_slice %arg2[%dma_wait3A_925, %multiple_of3A_532] : memref<16x1000000xf32, #tpu.memory_space<hbm>> -> memref<16x128xf32, #tpu.memory_space<hbm>>
      tpu.wait_dma2 semaphore(%arg10 : memref<!tpu.dma_semaphore, #tpu.memory_space<semaphore_mem>>) src(%dma_wait3A_926 : memref<16x128xf32, #tpu.memory_space<hbm>>) dst(%dma_wait3A_924 : memref<16x128xf32, #tpu.memory_space<vmem>>)
      %dma_wait3A_927 = arith.constant 0 : i32
      %dma_wait3A_928 = arith.constant 1920 : i32
      %dma_wait3A_929 = tpu.memref_slice %arg8[%dma_wait3A_927, %dma_wait3A_928] : memref<16x2048xf32, #tpu.memory_space<vmem>> -> memref<16x128xf32, #tpu.memory_space<vmem>>
      %dma_wait3A_930 = arith.constant 0 : i32
      %dma_wait3A_931 = tpu.memref_slice %arg2[%dma_wait3A_930, %multiple_of3A_549] : memref<16x1000000xf32, #tpu.memory_space<hbm>> -> memref<16x128xf32, #tpu.memory_space<hbm>>
      %dma_wait3A_932 = arith.constant 0 : i32
      %dma_wait3A_933 = arith.constant 1920 : i32
      %dma_wait3A_934 = tpu.memref_slice %arg8[%dma_wait3A_932, %dma_wait3A_933] : memref<16x2048xf32, #tpu.memory_space<vmem>> -> memref<16x128xf32, #tpu.memory_space<vmem>>
      %dma_wait3A_935 = arith.constant 0 : i32
      %dma_wait3A_936 = tpu.memref_slice %arg2[%dma_wait3A_935, %multiple_of3A_549] : memref<16x1000000xf32, #tpu.memory_space<hbm>> -> memref<16x128xf32, #tpu.memory_space<hbm>>
      tpu.wait_dma2 semaphore(%arg10 : memref<!tpu.dma_semaphore, #tpu.memory_space<semaphore_mem>>) src(%dma_wait3A_936 : memref<16x128xf32, #tpu.memory_space<hbm>>) dst(%dma_wait3A_934 : memref<16x128xf32, #tpu.memory_space<vmem>>)
      %and3A_937 = arith.constant 127 : i32
      %and3A_938 = vector.broadcast %and3A_937 : i32 to vector<16xi32>
      %and3A_939 = arith.andi %get3A_287, %and3A_938 : vector<16xi32>
      %mul3A_940 = arith.constant 128 : i32
      %mul3A_941 = vector.broadcast %mul3A_940 : i32 to vector<16xi32>
      %mul3A_942 = arith.muli %iota3A, %mul3A_941 : vector<16xi32>
      %add3A_943 = arith.addi %and3A_939, %mul3A_942 : vector<16xi32>
      %mul3A_944 = arith.constant 16 : i32
      %mul3A_945 = arith.muli %add3A_776, %mul3A_944 : i32
      %add3A_946 = vector.broadcast %mul3A_945 : i32 to vector<16xi32>
      %add3A_947 = arith.addi %add3A_946, %iota3A : vector<16xi32>
      %broadcast_in_dim3A_948 = arith.constant 0 : i32
      %broadcast_in_dim3A_949 = vector.broadcast %broadcast_in_dim3A_948 : i32 to vector<16xi32>
      %gather3A_950 = tpu.vector_load_idx %arg8[%broadcast_in_dim3A_949, %add3A_943] : memref<16x2048xf32, #tpu.memory_space<vmem>>[vector<16xi32>, vector<16xi32>], vector<16xf32>,
      tpu.vector_store_idx %arg6[%broadcast_in_dim3A_949, %add3A_947], %gather3A_950 : memref<16x512xf32, #tpu.memory_space<vmem>>[vector<16xi32>, vector<16xi32>], vector<16xf32>,
      %broadcast_in_dim3A_951 = arith.constant 1 : i32
      %broadcast_in_dim3A_952 = vector.broadcast %broadcast_in_dim3A_951 : i32 to vector<16xi32>
      %gather3A_953 = tpu.vector_load_idx %arg8[%broadcast_in_dim3A_952, %add3A_943] : memref<16x2048xf32, #tpu.memory_space<vmem>>[vector<16xi32>, vector<16xi32>], vector<16xf32>,
      tpu.vector_store_idx %arg6[%broadcast_in_dim3A_952, %add3A_947], %gather3A_953 : memref<16x512xf32, #tpu.memory_space<vmem>>[vector<16xi32>, vector<16xi32>], vector<16xf32>,
      %broadcast_in_dim3A_954 = arith.constant 2 : i32
      %broadcast_in_dim3A_955 = vector.broadcast %broadcast_in_dim3A_954 : i32 to vector<16xi32>
      %gather3A_956 = tpu.vector_load_idx %arg8[%broadcast_in_dim3A_955, %add3A_943] : memref<16x2048xf32, #tpu.memory_space<vmem>>[vector<16xi32>, vector<16xi32>], vector<16xf32>,
      tpu.vector_store_idx %arg6[%broadcast_in_dim3A_955, %add3A_947], %gather3A_956 : memref<16x512xf32, #tpu.memory_space<vmem>>[vector<16xi32>, vector<16xi32>], vector<16xf32>,
      %broadcast_in_dim3A_957 = arith.constant 3 : i32
      %broadcast_in_dim3A_958 = vector.broadcast %broadcast_in_dim3A_957 : i32 to vector<16xi32>
      %gather3A_959 = tpu.vector_load_idx %arg8[%broadcast_in_dim3A_958, %add3A_943] : memref<16x2048xf32, #tpu.memory_space<vmem>>[vector<16xi32>, vector<16xi32>], vector<16xf32>,
      tpu.vector_store_idx %arg6[%broadcast_in_dim3A_958, %add3A_947], %gather3A_959 : memref<16x512xf32, #tpu.memory_space<vmem>>[vector<16xi32>, vector<16xi32>], vector<16xf32>,
      %broadcast_in_dim3A_960 = arith.constant 4 : i32
      %broadcast_in_dim3A_961 = vector.broadcast %broadcast_in_dim3A_960 : i32 to vector<16xi32>
      %gather3A_962 = tpu.vector_load_idx %arg8[%broadcast_in_dim3A_961, %add3A_943] : memref<16x2048xf32, #tpu.memory_space<vmem>>[vector<16xi32>, vector<16xi32>], vector<16xf32>,
      tpu.vector_store_idx %arg6[%broadcast_in_dim3A_961, %add3A_947], %gather3A_962 : memref<16x512xf32, #tpu.memory_space<vmem>>[vector<16xi32>, vector<16xi32>], vector<16xf32>,
      %broadcast_in_dim3A_963 = arith.constant 5 : i32
      %broadcast_in_dim3A_964 = vector.broadcast %broadcast_in_dim3A_963 : i32 to vector<16xi32>
      %gather3A_965 = tpu.vector_load_idx %arg8[%broadcast_in_dim3A_964, %add3A_943] : memref<16x2048xf32, #tpu.memory_space<vmem>>[vector<16xi32>, vector<16xi32>], vector<16xf32>,
      tpu.vector_store_idx %arg6[%broadcast_in_dim3A_964, %add3A_947], %gather3A_965 : memref<16x512xf32, #tpu.memory_space<vmem>>[vector<16xi32>, vector<16xi32>], vector<16xf32>,
      %broadcast_in_dim3A_966 = arith.constant 6 : i32
      %broadcast_in_dim3A_967 = vector.broadcast %broadcast_in_dim3A_966 : i32 to vector<16xi32>
      %gather3A_968 = tpu.vector_load_idx %arg8[%broadcast_in_dim3A_967, %add3A_943] : memref<16x2048xf32, #tpu.memory_space<vmem>>[vector<16xi32>, vector<16xi32>], vector<16xf32>,
      tpu.vector_store_idx %arg6[%broadcast_in_dim3A_967, %add3A_947], %gather3A_968 : memref<16x512xf32, #tpu.memory_space<vmem>>[vector<16xi32>, vector<16xi32>], vector<16xf32>,
      %broadcast_in_dim3A_969 = arith.constant 7 : i32
      %broadcast_in_dim3A_970 = vector.broadcast %broadcast_in_dim3A_969 : i32 to vector<16xi32>
      %gather3A_971 = tpu.vector_load_idx %arg8[%broadcast_in_dim3A_970, %add3A_943] : memref<16x2048xf32, #tpu.memory_space<vmem>>[vector<16xi32>, vector<16xi32>], vector<16xf32>,
      tpu.vector_store_idx %arg6[%broadcast_in_dim3A_970, %add3A_947], %gather3A_971 : memref<16x512xf32, #tpu.memory_space<vmem>>[vector<16xi32>, vector<16xi32>], vector<16xf32>,
      %broadcast_in_dim3A_972 = arith.constant 8 : i32
      %broadcast_in_dim3A_973 = vector.broadcast %broadcast_in_dim3A_972 : i32 to vector<16xi32>
      %gather3A_974 = tpu.vector_load_idx %arg8[%broadcast_in_dim3A_973, %add3A_943] : memref<16x2048xf32, #tpu.memory_space<vmem>>[vector<16xi32>, vector<16xi32>], vector<16xf32>,
      tpu.vector_store_idx %arg6[%broadcast_in_dim3A_973, %add3A_947], %gather3A_974 : memref<16x512xf32, #tpu.memory_space<vmem>>[vector<16xi32>, vector<16xi32>], vector<16xf32>,
      %broadcast_in_dim3A_975 = arith.constant 9 : i32
      %broadcast_in_dim3A_976 = vector.broadcast %broadcast_in_dim3A_975 : i32 to vector<16xi32>
      %gather3A_977 = tpu.vector_load_idx %arg8[%broadcast_in_dim3A_976, %add3A_943] : memref<16x2048xf32, #tpu.memory_space<vmem>>[vector<16xi32>, vector<16xi32>], vector<16xf32>,
      tpu.vector_store_idx %arg6[%broadcast_in_dim3A_976, %add3A_947], %gather3A_977 : memref<16x512xf32, #tpu.memory_space<vmem>>[vector<16xi32>, vector<16xi32>], vector<16xf32>,
      %broadcast_in_dim3A_978 = arith.constant 10 : i32
      %broadcast_in_dim3A_979 = vector.broadcast %broadcast_in_dim3A_978 : i32 to vector<16xi32>
      %gather3A_980 = tpu.vector_load_idx %arg8[%broadcast_in_dim3A_979, %add3A_943] : memref<16x2048xf32, #tpu.memory_space<vmem>>[vector<16xi32>, vector<16xi32>], vector<16xf32>,
      tpu.vector_store_idx %arg6[%broadcast_in_dim3A_979, %add3A_947], %gather3A_980 : memref<16x512xf32, #tpu.memory_space<vmem>>[vector<16xi32>, vector<16xi32>], vector<16xf32>,
      %broadcast_in_dim3A_981 = arith.constant 11 : i32
      %broadcast_in_dim3A_982 = vector.broadcast %broadcast_in_dim3A_981 : i32 to vector<16xi32>
      %gather3A_983 = tpu.vector_load_idx %arg8[%broadcast_in_dim3A_982, %add3A_943] : memref<16x2048xf32, #tpu.memory_space<vmem>>[vector<16xi32>, vector<16xi32>], vector<16xf32>,
      tpu.vector_store_idx %arg6[%broadcast_in_dim3A_982, %add3A_947], %gather3A_983 : memref<16x512xf32, #tpu.memory_space<vmem>>[vector<16xi32>, vector<16xi32>], vector<16xf32>,
      %broadcast_in_dim3A_984 = arith.constant 12 : i32
      %broadcast_in_dim3A_985 = vector.broadcast %broadcast_in_dim3A_984 : i32 to vector<16xi32>
      %gather3A_986 = tpu.vector_load_idx %arg8[%broadcast_in_dim3A_985, %add3A_943] : memref<16x2048xf32, #tpu.memory_space<vmem>>[vector<16xi32>, vector<16xi32>], vector<16xf32>,
      tpu.vector_store_idx %arg6[%broadcast_in_dim3A_985, %add3A_947], %gather3A_986 : memref<16x512xf32, #tpu.memory_space<vmem>>[vector<16xi32>, vector<16xi32>], vector<16xf32>,
      %broadcast_in_dim3A_987 = arith.constant 13 : i32
      %broadcast_in_dim3A_988 = vector.broadcast %broadcast_in_dim3A_987 : i32 to vector<16xi32>
      %gather3A_989 = tpu.vector_load_idx %arg8[%broadcast_in_dim3A_988, %add3A_943] : memref<16x2048xf32, #tpu.memory_space<vmem>>[vector<16xi32>, vector<16xi32>], vector<16xf32>,
      tpu.vector_store_idx %arg6[%broadcast_in_dim3A_988, %add3A_947], %gather3A_989 : memref<16x512xf32, #tpu.memory_space<vmem>>[vector<16xi32>, vector<16xi32>], vector<16xf32>,
      %broadcast_in_dim3A_990 = arith.constant 14 : i32
      %broadcast_in_dim3A_991 = vector.broadcast %broadcast_in_dim3A_990 : i32 to vector<16xi32>
      %gather3A_992 = tpu.vector_load_idx %arg8[%broadcast_in_dim3A_991, %add3A_943] : memref<16x2048xf32, #tpu.memory_space<vmem>>[vector<16xi32>, vector<16xi32>], vector<16xf32>,
      tpu.vector_store_idx %arg6[%broadcast_in_dim3A_991, %add3A_947], %gather3A_992 : memref<16x512xf32, #tpu.memory_space<vmem>>[vector<16xi32>, vector<16xi32>], vector<16xf32>,
      %broadcast_in_dim3A_993 = arith.constant 15 : i32
      %broadcast_in_dim3A_994 = vector.broadcast %broadcast_in_dim3A_993 : i32 to vector<16xi32>
      %gather3A_995 = tpu.vector_load_idx %arg8[%broadcast_in_dim3A_994, %add3A_943] : memref<16x2048xf32, #tpu.memory_space<vmem>>[vector<16xi32>, vector<16xi32>], vector<16xf32>,
      tpu.vector_store_idx %arg6[%broadcast_in_dim3A_994, %add3A_947], %gather3A_995 : memref<16x512xf32, #tpu.memory_space<vmem>>[vector<16xi32>, vector<16xi32>], vector<16xf32>,
    }
    %scan3A_7 = arith.constant 16 : i32
    %mul3A_8 = arith.constant 512 : i32
    %mul3A_9 = arith.muli %add3A, %mul3A_8 : i32
    "tpu.region"() ({
      %run_scoped3A = tpu.sem_alloc : memref<!tpu.dma_semaphore, #tpu.memory_space<semaphore_mem>>
      %dma_start3A = arith.constant 0 : i32
      %dma_start3A_10 = tpu.memref_slice %arg4[%dma_start3A, %mul3A_9] : memref<16x16384xf32, #tpu.memory_space<hbm>> -> memref<16x512xf32, #tpu.memory_space<hbm>>
      %dma_start3A_11 = arith.constant 0 : i32
      %dma_start3A_12 = tpu.memref_slice %arg4[%dma_start3A_11, %mul3A_9] : memref<16x16384xf32, #tpu.memory_space<hbm>> -> memref<16x512xf32, #tpu.memory_space<hbm>>
      tpu.enqueue_dma source(%arg6 : memref<16x512xf32, #tpu.memory_space<vmem>>) target(%dma_start3A_12 : memref<16x512xf32, #tpu.memory_space<hbm>>) target_semaphore(%run_scoped3A : memref<!tpu.dma_semaphore, #tpu.memory_space<semaphore_mem>>)
      %dma_wait3A = arith.constant 0 : i32
      %dma_wait3A_13 = tpu.memref_slice %arg4[%dma_wait3A, %mul3A_9] : memref<16x16384xf32, #tpu.memory_space<hbm>> -> memref<16x512xf32, #tpu.memory_space<hbm>>
      %dma_wait3A_14 = arith.constant 0 : i32
      %dma_wait3A_15 = tpu.memref_slice %arg4[%dma_wait3A_14, %mul3A_9] : memref<16x16384xf32, #tpu.memory_space<hbm>> -> memref<16x512xf32, #tpu.memory_space<hbm>>
      tpu.wait_dma2 semaphore(%run_scoped3A : memref<!tpu.dma_semaphore, #tpu.memory_space<semaphore_mem>>) src(%arg6 : memref<16x512xf32, #tpu.memory_space<vmem>>) dst(%dma_wait3A_15 : memref<16x512xf32, #tpu.memory_space<hbm>>)
      tpu.yield
    }) : () -> ()
    return
  }
}

</mosaic_0001>

<sc_bundles>
// kernel: kernel.3.cloned.1.call-start
scs
__scs_entry_jumppad:
0x0: {  	(pc) =	sbr.rel $0x88, $3  }
0x1: {  	(tag) =	ssettag $0x0;
	lr =	simm.s32 $0x1  }
0x2: {  	[smem:$0x3F9F] =	sst lr;
	_ =	strace $0xD0000000  }
0x3: {  	_ = 	snop  }
0x4: {  	_ = 	snop  }
0x5: {  	_ = 	snop  }
0x6: {  	_ = 	snop  }
0x7: {  	_ = 	snop  }
__scs_overlays_trampoline_lowered:
0x8: {  	[smem:$0x3FAE] =	sst s0  }
0x9: {  	[smem:$0x3FAF] =	sst s1  }
0xa: {  	[smem:$0x3FB0] =	sst s2  }
0xb: {  	[smem:$0x3FB1] =	sst s3  }
0xc: {  	[smem:$0x3FB2] =	sst s4  }
0xd: {  	[smem:$0x3FB3] =	sst s5  }
0xe: {  	[smem:$0x3FB4] =	sst s6  }
0xf: {  	[smem:$0x3FB5] =	sst s7  }
0x10: {  	[smem:$0x3FB6] =	sst s8  }
0x11: {  	[smem:$0x3FB7] =	sst s9;
	s0 =	simm.s32 @!p0 $0x0  }
0x12: {  	s1 =	sld [smem:$0x3F9D];
	s0 =	simm.s32 @p0 $0x1  }
0x13: {  	[smem:$0x3FB8] =	sst s0;
	s0 =	simm.s32 @!p1 $0x0  }
0x14: {  	s2 =	sld [smem:$0x3F9C];
	s0 =	simm.s32 @p1 $0x1  }
0x15: {  	[smem:$0x3FB9] =	sst s0;
	s0 =	simm.s32 @!p2 $0x0  }
0x16: {  	s3 =	sld [smem:$0x3FDB];
	s0 =	simm.s32 @p2 $0x1  }
0x17: {  	s4 =	simm.s32 $0x1BF5;
	[smem:$0x3FBB] =	sst s0  }
0x18: {  	s0 =	sld [smem:$0x3F9E];
	_ =	swait.ge [sflag:s4], $0x0  }
0x19: {  	s7 =	sld [smem:$0x3F9F]  }
0x1a: {  	s8 =	sadd.s32 $0xFFFFE003, lr  }
0x1b: {  	s9 =	sadd.s32 $0xFFFFFEF7, lr;
	s5 =	simm.s32 $0xFFFFFFFF;
	p2 =	slt.u32 s8, $0xFFFFF086  }
0x1c: {  	p1 =	slt.u32 s9, $0xF7A;
	s5 =	simm.s32 @!p2 $0x0  }
0x1d: {  	s5 =	simm.s32 @p1 $0x1;
	p0 =	seq.s32 s7, s2  }
0x1e: {  	s7 =	smul.u32 @!p0 $0xF7A, s2;
	p2 =	seq.s32 @!p0 s5, $0x0  }
0x1f: {  	s9 =	smul.u32 $0xF7A, s1;
	s8 =	simm.s32 @!p0 $0x1BF5;
	p2 =	por !p2, p0  }
0x20: {  	[sflag:s8] =	ssyncset.s32 @!p0 $0xFFFFF086;
	s6 =	sadd.s32 @!p0 s3, s7;
	s7 =	simm.s32 @!p0 $0x108  }
0x21: {  	s3 =	sadd.s32 s3, s9;
	s6 =	sadd.s32 @!p0 $0x88, s6;
	s7 =	simm.s32 @p2 $0x1082  }
0x22: {  	[simem:s7], [sflag:s8] =	dma.local @!p0 [hbm:s6], $0xF7A  }
0x23: {  	s9 =	sor.u32 $0xD0000000, s2;
	s6 =	simm.s32 $0x108;
	_ =	swait.ge @!p0 [sflag:s8], $0x0  }
0x24: {  	s3 =	sadd.s32 $0x88, s3;
	s6 =	simm.s32 @!p1 $0x1082;
	[sflag:s4] =	ssyncset.s32 $0xFFFFF086  }
0x25: {  	[simem:s6], [sflag:s4] =	dma.local [hbm:s3], $0xF7A  }
0x26: {  	[smem:$0x3F9F] =	sst s1;
	(tag) =	ssettag s2;
	_ =	strace s9  }
0x27: {  	s1 =	sld [smem:$0x3FAF]  }
0x28: {  	s2 =	sld [smem:$0x3FB0]  }
0x29: {  	s4 =	sld [smem:$0x3FB2]  }
0x2a: {  	p0 =	seq.s32 s5, $0x0;
	s5 =	sld [smem:$0x3FB3]  }
0x2b: {  	s6 =	sld [smem:$0x3FB4]  }
0x2c: {  	s7 =	sld [smem:$0x3FB5]  }
0x2d: {  	s3 =	simm.s32 $0x108;
	s8 =	sld [smem:$0x3FB6]  }
0x2e: {  	s3 =	simm.s32 @!p0 $0x1082;
	s9 =	sld [smem:$0x3FB7]  }
0x2f: {  	lr =	sadd.s32 s0, s3;
	s0 =	sld [smem:$0x3FAE]  }
0x30: {  	s3 =	sld [smem:$0x3FB1]  }
0x31: {  	[smem:$0x3FBA] =	sst s10  }
0x32: {  	s10 =	sld [smem:$0x3FB8];
	_ =	sdelay $0x3  }
0x33: {  	p0 =	seq.s32 s10, $0x1;
	s10 =	sld [smem:$0x3FBA];
	_ =	sdelay $0x3  }
0x34: {  	[smem:$0x3FBA] =	sst s10  }
0x35: {  	s10 =	sld [smem:$0x3FB9];
	_ =	sdelay $0x3  }
0x36: {  	p1 =	seq.s32 s10, $0x1;
	s10 =	sld [smem:$0x3FBA];
	_ =	sdelay $0x3  }
0x37: {  	[smem:$0x3FBA] =	sst s10  }
0x38: {  	s10 =	sld [smem:$0x3FBB]  }
0x39: {  	_ = 	snop;
	(pc) =	sbr.ind lr, $3  }
0x3a: {  	_ = 	snop  }
0x3b: {  	_ = 	snop  }
0x3c: {  	p2 =	seq.s32 s10, $0x1;
	s10 =	sld [smem:$0x3FBA]  }
0x3d: {  	_ =	shalt  }
0x3e: {  	_ =	shalt  }
0x3f: {  	_ =	shalt  }
0x40: {  	_ =	shalt  }
0x41: {  	_ =	shalt  }
0x42: {  	_ =	shalt  }
0x43: {  	_ =	shalt  }
0x44: {  	_ =	shalt  }
0x45: {  	_ =	shalt  }
0x46: {  	_ =	shalt  }
0x47: {  	_ =	shalt  }
0x48: {  	_ =	shalt  }
0x49: {  	_ =	shalt  }
0x4a: {  	_ =	shalt  }
0x4b: {  	_ =	shalt  }
0x4c: {  	_ =	shalt  }
0x4d: {  	_ =	shalt  }
0x4e: {  	_ =	shalt  }
0x4f: {  	_ =	shalt  }
0x50: {  	_ =	shalt  }
0x51: {  	_ =	shalt  }
0x52: {  	_ =	shalt  }
0x53: {  	_ =	shalt  }
0x54: {  	_ =	shalt  }
0x55: {  	_ =	shalt  }
0x56: {  	_ =	shalt  }
0x57: {  	_ =	shalt  }
0x58: {  	_ =	shalt  }
0x59: {  	_ =	shalt  }
0x5a: {  	_ =	shalt  }
0x5b: {  	_ =	shalt  }
0x5c: {  	_ =	shalt  }
0x5d: {  	_ =	shalt  }
0x5e: {  	_ =	shalt  }
0x5f: {  	_ =	shalt  }
0x60: {  	_ =	shalt  }
0x61: {  	_ =	shalt  }
0x62: {  	_ =	shalt  }
0x63: {  	_ =	shalt  }
0x64: {  	_ =	shalt  }
0x65: {  	_ =	shalt  }
0x66: {  	_ =	shalt  }
0x67: {  	_ =	shalt  }
0x68: {  	_ =	shalt  }
0x69: {  	_ =	shalt  }
0x6a: {  	_ =	shalt  }
0x6b: {  	_ =	shalt  }
0x6c: {  	_ =	shalt  }
0x6d: {  	_ =	shalt  }
0x6e: {  	_ =	shalt  }
0x6f: {  	_ =	shalt  }
0x70: {  	_ =	shalt  }
0x71: {  	_ =	shalt  }
0x72: {  	_ =	shalt  }
0x73: {  	_ =	shalt  }
0x74: {  	_ =	shalt  }
0x75: {  	_ =	shalt  }
0x76: {  	_ =	shalt  }
0x77: {  	_ =	shalt  }
0x78: {  	_ =	shalt  }
0x79: {  	_ =	shalt  }
0x7a: {  	_ =	shalt  }
0x7b: {  	_ =	shalt  }
0x7c: {  	_ =	shalt  }
0x7d: {  	_ =	shalt  }
0x7e: {  	_ =	shalt  }
0x7f: {  	_ =	shalt  }
0x80: {  	_ =	shalt  }
0x81: {  	_ =	shalt  }
0x82: {  	_ =	shalt  }
0x83: {  	_ =	shalt  }
0x84: {  	_ =	shalt  }
0x85: {  	_ =	shalt  }
0x86: {  	_ =	shalt  }
0x87: {  	_ =	shalt  }
.Lfunc_end0:
.L_simem_size_0:
called_computation_lowered:
.L_overlay_start_0:
0x88: {  	s2 =	sld [smem:$0x3FD9]  }
0x89: {  	s3 =	sld [smem:$0x3FFE];
	_ =	sdelay $0x1  }
0x8a: {  	s1 =	srdreg.scid  }
0x8b: {  	s0 =	sand.u32 $0x1, s1  }
0x8c: {  	s18 =	sshll.u32 s0, $0xA;
	s2 =	sadd.s32 s3, s2  }
0x8d: {  	s2 =	sadd.s32 s2, s18  }
0x8e: {  	[smem:$0x3FC6] =	sst s2  }
0x8f: {  	_ = 	snop  }
0x90: {  	s2 =	sld [smem:$0x3FC9]  }
0x91: {  	s19 =	sld [smem:$0x3FC8]  }
0x92: {  	s4 =	sld [smem:$0x3FD0];
	(tm) =	ssettm $0x1  }
0x93: {  	s5 =	sld [smem:$0x3FFB];
	_ =	sdelay $0x3  }
0x94: {  	_ =	strace s5  }
0x95: {  	s5 =	sld [smem:$0x3FFC];
	_ =	sdelay $0x3  }
0x96: {  	_ =	strace s5  }
0x97: {  	s5 =	sld [smem:$0x3FFD];
	_ =	sdelay $0x3  }
0x98: {  	_ =	strace s5  }
0x99: {  	_ =	strace $0x8FFFFFFF  }
0x9a: {  	s20 =	sld [smem:$0x3FDB];
	_ =	sdelay $0x1  }
0x9b: {  	s6 =	simm.s32 $_scs_section_size  }
0x9c: {  	s7 =	simm.s32 $_size__tile_overlayer_lowered;
	s8 =	simm.s32 $_tile_overlayer_lowered  }
0x9d: {  	s23 =	simm.s32 $0x1BFF;
	s22 =	sshll.u32 s8, $0x1;
	s5 =	sadd.s32 s6, s20  }
0x9e: {  	s9 =	simm.s32 $0x0;
	s21 =	sshll.u32 s7, $0x1;
	s7 =	sadd.s32 s22, s5  }
0x9f: {  	[timem:s9], [sflag:s23] =	dma.local [hbm:s7], s21  }
0xa0: {  	_ =	swait.ge [sflag:s23], s21  }
0xa1: {  	s6 =	ssub.s32 $0x0, s21;
	[sflag:s23] =	ssyncset.done $0x0  }
0xa2: {  	[sflag:s23] =	ssyncadd.s32 s6;
	_ =	sdelay $0x1  }
0xa3: {  	s24 =	simm.s32 $0x1B8B  }
0xa4: {  	_ =	swait.ge [sflag:s24], $0x1  }
0xa5: {  	[sflag:s24] =	ssyncset.done $0x0  }
0xa6: {  	s25 =	simm.s32 $0x1B8E;
	[sflag:s24] =	ssyncadd.s32 $0xFFFFFFFF  }
0xa7: {  	s26 =	simm.s32 $execute0_lowered;
	[smem:$0x3FD2] =	sst s25  }
0xa8: {  	s6 =	sshll.u32 s26, $0x1;
	_ =	strace $0x80000046;
	[dreg:$0x1] =	wrdreg $0xFFFFFFFF  }
0xa9: {  	s28 =	simm.s32 $_size_execute0_lowered;
	s5 =	sadd.s32 s5, s6;
	[dreg:$0x0] =	wrdreg $0x0  }
0xaa: {  	s6 =	sshll.u32 s28, $0x1;
	[dreg:$0x2] =	wrdreg s5  }
0xab: {  	[dreg:$0x3] =	wrdreg s6  }
0xac: {  	[dreg:$0x4] =	wrdreg $0xC0  }
0xad: {  	_ =	task [dreg:s9], $0x5FFFF  }
0xae: {  	[dreg:$0x1] =	wrdreg $0xFFFFFFFF  }
0xaf: {  	[dreg:$0x0] =	wrdreg $0x60  }
0xb0: {  	[dreg:$0x2] =	wrdreg s19  }
0xb1: {  	[dreg:$0x3] =	wrdreg s2  }
0xb2: {  	[dreg:$0x4] =	wrdreg s4  }
0xb3: {  	[dreg:$0x5] =	wrdreg $0x9  }
0xb4: {  	_ =	task.clear_ibuf [dreg:s9], $0x6FFFF;
	_ =	strace $0x90000046  }
0xb5: {  	s29 =	simm.s32 $0x9;
	_ =	strace $0x80000048  }
0xb6: {  	_ =	swait.ge [sflag:s29], $0x1  }
0xb7: {  	[sflag:s29] =	ssyncadd.s32 $0xFFFFFFFF  }
0xb8: {  	_ =	strace $0x90000048  }
0xb9: {  	_ =	sfence  }
0xba: {  	s30 =	sld [smem:$0x0];
	_ =	sdelay $0x2  }
0xbb: {  	s31 =	sshll.u32 s1, $0xD;
	s1 =	sshrl.u32 s1, $0x2  }
0xbc: {  	s3 =	sand.u32 $0x4000, s31;
	s1 =	sadd.s32 s1, s30  }
0xbd: {  	s0 =	sor.u32 s3, s0;
	s1 =	sshll.u32 s1, $0x11  }
0xbe: {  	s0 =	sor.u32 s1, s0  }
0xbf: {  	s0 =	sadd.s32 $0x8F2B, s0  }
0xc0: {  	[sflag:s0] =	ssyncadd.remote.s32 $0x1  }
0xc1: {  	_ =	sfence.sel $0xFFFF  }
0xc2: {  	[dreg:$0x0] =	wrdreg $0xFFFFFFFF;
	(pc) =	sbr.abs _section_cstart, $3  }
0xc3: {  	[dreg:$0x1] =	wrdreg $0xFFFFFFFF  }
0xc4: {  	_ =	task.clear_ibuf [dreg:s9], $0x2FFFF;
	_ =	strace $0x9FFFFFFF  }
0xc5: {  	(tm) =	ssettm $0x7FFFFFFF  }
tec
execute0_lowered:
.L_overlay_start_1:
0x0: {  	(tag) =	ssettag $0x1  }
0x1: {  	s1 =	rddreg [dreg:$0x0]  }
0x2: {  	s4 =	rddreg [dreg:$0x1]  }
0x3: {  	s5 =	rddreg [dreg:$0x2]  }
0x4: {  	s0 =	rddreg [dreg:$0x3];
	s2 =	simm.s32 $0x0  }
0x5: {  	s3 =	simm.s32 $0x6200;
	[smem:$0x7FF] =	sst s2  }
0x6: {  	s21 =	simm.s32 $0x2600;
	_ =	strace $0x80000047;
	[dreg:$0x4] =	wrdreg s3  }
0x7: {  	s22 =	simm.s32 $0x6600;
	[dreg:$0x5] =	wrdreg s21  }
0x8: {  	s23 =	simm.s32 $0x2A00;
	[dreg:$0x6] =	wrdreg s22  }
0x9: {  	s24 =	simm.s32 $0x6A00;
	[dreg:$0x7] =	wrdreg s23  }
0xa: {  	s25 =	simm.s32 $0x2E00;
	[dreg:$0x8] =	wrdreg s24  }
0xb: {  	s26 =	simm.s32 $0x6E00;
	[dreg:$0x9] =	wrdreg s25  }
0xc: {  	s28 =	simm.s32 $0x3200;
	[dreg:$0xa] =	wrdreg s26  }
0xd: {  	s29 =	simm.s32 $0x7200;
	[dreg:$0xb] =	wrdreg s28  }
0xe: {  	s30 =	simm.s32 $0x3600;
	[dreg:$0xc] =	wrdreg s29  }
0xf: {  	s31 =	simm.s32 $0x7600;
	[dreg:$0xd] =	wrdreg s30  }
0x10: {  	s6 =	simm.s32 $0x3A00;
	[dreg:$0xe] =	wrdreg s31  }
0x11: {  	s7 =	simm.s32 $0x7A00;
	[dreg:$0xf] =	wrdreg s6  }
0x12: {  	s8 =	simm.s32 $0x3E00;
	[dreg:$0x10] =	wrdreg s7  }
0x13: {  	s9 =	simm.s32 $0x7E00;
	[dreg:$0x11] =	wrdreg s8  }
0x14: {  	s10 =	simm.s32 $0x4200;
	[dreg:$0x12] =	wrdreg s9  }
0x15: {  	s11 =	simm.s32 $0x8200;
	[dreg:$0x13] =	wrdreg s10  }
0x16: {  	s12 =	simm.s32 $0x4600;
	[dreg:$0x14] =	wrdreg s11  }
0x17: {  	s13 =	simm.s32 $0x8600;
	[dreg:$0x15] =	wrdreg s12  }
0x18: {  	s14 =	simm.s32 $0x4A00;
	[dreg:$0x16] =	wrdreg s13  }
0x19: {  	s15 =	simm.s32 $0x8A00;
	[dreg:$0x17] =	wrdreg s14  }
0x1a: {  	s16 =	simm.s32 $0x4E00;
	[dreg:$0x18] =	wrdreg s15  }
0x1b: {  	s17 =	simm.s32 $0x8E00;
	[dreg:$0x19] =	wrdreg s16  }
0x1c: {  	s18 =	simm.s32 $0x5200;
	[dreg:$0x1a] =	wrdreg s17  }
0x1d: {  	s19 =	simm.s32 $0x9200;
	[dreg:$0x1b] =	wrdreg s18  }
0x1e: {  	s20 =	simm.s32 $0x5600;
	[dreg:$0x1c] =	wrdreg s19  }
0x1f: {  	[dreg:$0x1d] =	wrdreg s20;
	s21 =	simm.s32 $0x9600  }
0x20: {  	s22 =	simm.s32 $0x5A00;
	[dreg:$0x1e] =	wrdreg s21  }
0x21: {  	s23 =	simm.s32 $0x9A00;
	[dreg:$0x1f] =	wrdreg s22  }
0x22: {  	s24 =	simm.s32 $0x5E00;
	[smem:$0x7DC] =	sst s23  }
0x23: {  	s25 =	simm.s32 $0x9E00;
	[smem:$0x7DD] =	sst s24  }
0x24: {  	s26 =	simm.s32 $0xE200;
	[smem:$0x7DE] =	sst s25  }
0x25: {  	s28 =	simm.s32 $0xA600;
	[smem:$0x7DF] =	sst s26  }
0x26: {  	s29 =	simm.s32 $0xE600;
	[smem:$0x7E0] =	sst s28  }
0x27: {  	s30 =	simm.s32 $0xAA00;
	[smem:$0x7E1] =	sst s29  }
0x28: {  	s31 =	simm.s32 $0xEA00;
	[smem:$0x7E2] =	sst s30  }
0x29: {  	s6 =	simm.s32 $0xAE00;
	[smem:$0x7E3] =	sst s31  }
0x2a: {  	s7 =	simm.s32 $0xEE00;
	[smem:$0x7E4] =	sst s6  }
0x2b: {  	s8 =	simm.s32 $0xB200;
	[smem:$0x7E5] =	sst s7  }
0x2c: {  	s9 =	simm.s32 $0xF200;
	[smem:$0x7E6] =	sst s8  }
0x2d: {  	s10 =	simm.s32 $0xB600;
	[smem:$0x7E7] =	sst s9  }
0x2e: {  	s11 =	simm.s32 $0xF600;
	[smem:$0x7E8] =	sst s10  }
0x2f: {  	s12 =	simm.s32 $0xBA00;
	[smem:$0x7E9] =	sst s11  }
0x30: {  	s13 =	simm.s32 $0xFA00;
	[smem:$0x7EA] =	sst s12  }
0x31: {  	s14 =	simm.s32 $0xBE00;
	[smem:$0x7EB] =	sst s13  }
0x32: {  	s15 =	simm.s32 $0xFE00;
	[smem:$0x7EC] =	sst s14  }
0x33: {  	s16 =	simm.s32 $0xC200;
	[smem:$0x7ED] =	sst s15  }
0x34: {  	s17 =	simm.s32 $0x10200;
	[smem:$0x7EE] =	sst s16  }
0x35: {  	s18 =	simm.s32 $0x10600;
	[smem:$0x7EF] =	sst s17  }
0x36: {  	s19 =	simm.s32 $0xCA00;
	[smem:$0x7F1] =	sst s18  }
0x37: {  	s20 =	simm.s32 $0x10A00;
	[smem:$0x7F2] =	sst s19  }
0x38: {  	s3 =	stileid.u32;
	s7 =	simm.s32 $0xC600;
	[smem:$0x7F3] =	sst s20  }
0x39: {  	s6 =	srdreg.scid;
	s21 =	simm.s32 $0xCE00;
	[smem:$0x7F0] =	sst s7  }
0x3a: {  	s22 =	simm.s32 $0x10E00;
	s23 =	sshll.u32 s3, $0xA;
	[smem:$0x7F4] =	sst s21  }
0x3b: {  	s24 =	simm.s32 $0xD200;
	s25 =	simm.s32 $0x11200;
	[smem:$0x7F5] =	sst s22  }
0x3c: {  	s26 =	simm.s32 $0xD600;
	s28 =	simm.s32 $0x11600;
	[smem:$0x7F6] =	sst s24  }
0x3d: {  	s29 =	simm.s32 $0xDA00;
	s30 =	simm.s32 $0x11A00;
	[smem:$0x7F7] =	sst s25  }
0x3e: {  	s31 =	simm.s32 $0xDE00;
	s10 =	simm.s32 $0x11E00;
	[smem:$0x7F8] =	sst s26  }
0x3f: {  	v0 =	vlaneseq.u32;
	s11 =	simm.s32 $0x200;
	s12 =	simm.s32 $0x2;
	[smem:$0x7F9] =	sst s28  }
0x40: {  	v1 =	vmul.u32 $0x400, v0;
	s13 =	simm.s32 $0x1000;
	s14 =	simm.s32 $0x20000;
	[smem:$0x7FA] =	sst s29  }
0x41: {  	s15 =	simm.s32 $0x0;
	s6 =	sand.u32 $0x1, s6;
	[smem:$0x7FB] =	sst s30  }
0x42: {  	v2 =	vor.u32 $0x80, v1;
	v3 =	vor.u32 $0x100, v1;
	v4 =	vor.u32 $0x180, v1;
	s7 =	simm.s32 $0x3;
	s8 =	ssub.s32 $0x2, s6;
	s6 =	sshll.u32 s6, $0x9  }
0x43: {  	v5 =	vor.u32 $0x200, v1;
	v6 =	vor.u32 $0x280, v1;
	v7 =	vor.u32 $0x300, v1;
	[smem:$0x7FC] =	sst s31;
	s9 =	sshrl.u32 s8, $0x1;
	s6 =	sor.u32 s6, s23  }
0x44: {  	v8 =	vor.u32 $0x380, v1;
	v9 =	vor.u32 $0x4000, v1;
	v10 =	vor.u32 $0x4080, v1;
	[smem:$0x7FD] =	sst s10;
	s8 =	ssub.s32 s8, s9;
	s9 =	sshrl.u32 s6, $0x3  }
0x45: {  	v11 =	vor.u32 $0x4100, v1;
	v12 =	vor.u32 $0x4180, v1;
	v13 =	vor.u32 $0x4200, v1;
	s10 =	simm.s32 $0x1;
	s5 =	sadd.s32 s5, s6;
	s4 =	sadd.s32 s4, s9  }
0x46: {  	v14 =	vor.u32 $0x4280, v1;
	v15 =	vor.u32 $0x4300, v1;
	v16 =	vor.u32 $0x4380, v1;
	s6 =	smax.u32 s8, $0x1;
	s8 =	simm.s32 $0x2200;
	s9 =	simm.s32 $0xA200  }
.LBB2_1:
0x47: {  	[tilespmem:s2], [sflag:$0x3] =	stream.linear.gather [hbm4b:s4+s2], $0x200, $0x38;
	[tilespmem:$0x12200] =	vst v63  }
0x48: {  	_ =	swait.ge [sflag:s7], $0x200  }
0x49: {  	[sflag:s7] =	ssyncset.done $0x0  }
0x4a: {  	s16 =	simm.s32 $0x10;
	s17 =	simm.s32 $0x0;
	[sflag:s7] =	ssyncadd.s32 $0xFFFFFE00  }
.LBB2_2:
0x4b: {  	v17 =	vld [tilespmem:s16+$0xFFFFFFF0];
	_ =	sdelay $0x4  }
0x4c: {  	(v2sf) =	vpush v17, $0x0;
	_ =	sdelay $0x3  }
0x4d: {  	(v2sf) =	vpush v17, $0x1;
	_ =	sdelay $0x4  }
0x4e: {  	(v2sf) =	vpush v17, $0x2;
	_ =	sdelay $0x5  }
0x4f: {  	s18 =	spop (v2sf)  }
0x50: {  	(v2sf) =	vpush v17, $0x3;
	s18 =	sand.u32 $0xFFFFF80, s18  }
0x51: {  	s18 =	sadd.s32 s1, s18  }
0x52: {  	[tilespmem:s8], [sflag:$0x1] =	stream.linear.gather [hbm4b:s18+s2], $0x400, $0x38;
	[tilespmem:$0x12200] =	vst v63  }
0x53: {  	s19 =	rddreg [dreg:$0x4];
	s20 =	spop (v2sf);
	s18 =	sadd.s32 $0xF4280, s18  }
0x54: {  	(v2sf) =	vpush v17, $0x4;
	[tilespmem:s19], [sflag:$0x1] =	stream.linear.gather [hbm4b:s18+s2], $0x400, $0x38;
	[tilespmem:$0x12200] =	vst v63  }
0x55: {  	s18 =	sand.u32 $0xFFFFF80, s20  }
0x56: {  	s21 =	rddreg [dreg:$0x5];
	s18 =	sadd.s32 s1, s18  }
0x57: {  	[tilespmem:s21], [sflag:$0x1] =	stream.linear.gather [hbm4b:s18+s2], $0x400, $0x38;
	[tilespmem:$0x12200] =	vst v63  }
0x58: {  	s22 =	spop (v2sf);
	s20 =	rddreg [dreg:$0x6];
	s18 =	sadd.s32 $0xF4280, s18  }
0x59: {  	(v2sf) =	vpush v17, $0x5;
	[tilespmem:s20], [sflag:$0x1] =	stream.linear.gather [hbm4b:s18+s2], $0x400, $0x38;
	[tilespmem:$0x12200] =	vst v63  }
0x5a: {  	s18 =	sand.u32 $0xFFFFF80, s22  }
0x5b: {  	s23 =	rddreg [dreg:$0x7];
	s18 =	sadd.s32 s1, s18  }
0x5c: {  	[tilespmem:s23], [sflag:$0x1] =	stream.linear.gather [hbm4b:s18+s2], $0x400, $0x38;
	[tilespmem:$0x12200] =	vst v63  }
0x5d: {  	s24 =	rddreg [dreg:$0x8];
	s18 =	sadd.s32 $0xF4280, s18  }
0x5e: {  	[tilespmem:s24], [sflag:$0x1] =	stream.linear.gather [hbm4b:s18+s2], $0x400, $0x38;
	[tilespmem:$0x12200] =	vst v63  }
0x5f: {  	s25 =	spop (v2sf)  }
0x60: {  	(v2sf) =	vpush v17, $0x6;
	s18 =	sand.u32 $0xFFFFF80, s25  }
0x61: {  	s26 =	rddreg [dreg:$0x9];
	s18 =	sadd.s32 s1, s18  }
0x62: {  	[tilespmem:s26], [sflag:$0x1] =	stream.linear.gather [hbm4b:s18+s2], $0x400, $0x38;
	[tilespmem:$0x12200] =	vst v63  }
0x63: {  	s28 =	rddreg [dreg:$0xa];
	s29 =	spop (v2sf);
	s18 =	sadd.s32 $0xF4280, s18  }
0x64: {  	(v2sf) =	vpush v17, $0x7;
	[tilespmem:s28], [sflag:$0x1] =	stream.linear.gather [hbm4b:s18+s2], $0x400, $0x38;
	[tilespmem:$0x12200] =	vst v63  }
0x65: {  	s18 =	sand.u32 $0xFFFFF80, s29  }
0x66: {  	s30 =	rddreg [dreg:$0xb];
	s18 =	sadd.s32 s1, s18  }
0x67: {  	[tilespmem:s30], [sflag:$0x1] =	stream.linear.gather [hbm4b:s18+s2], $0x400, $0x38;
	[tilespmem:$0x12200] =	vst v63  }
0x68: {  	s31 =	rddreg [dreg:$0xc];
	s19 =	spop (v2sf);
	s18 =	sadd.s32 $0xF4280, s18  }
0x69: {  	(v2sf) =	vpush v17, $0x8;
	[tilespmem:s31], [sflag:$0x1] =	stream.linear.gather [hbm4b:s18+s2], $0x400, $0x38;
	[tilespmem:$0x12200] =	vst v63  }
0x6a: {  	s18 =	sand.u32 $0xFFFFF80, s19  }
0x6b: {  	s20 =	rddreg [dreg:$0xd];
	s18 =	sadd.s32 s1, s18  }
0x6c: {  	[tilespmem:s20], [sflag:$0x1] =	stream.linear.gather [hbm4b:s18+s2], $0x400, $0x38;
	[tilespmem:$0x12200] =	vst v63  }
0x6d: {  	s21 =	rddreg [dreg:$0xe];
	s18 =	sadd.s32 $0xF4280, s18  }
0x6e: {  	[tilespmem:s21], [sflag:$0x1] =	stream.linear.gather [hbm4b:s18+s2], $0x400, $0x38;
	[tilespmem:$0x12200] =	vst v63  }
0x6f: {  	s22 =	spop (v2sf)  }
0x70: {  	(v2sf) =	vpush v17, $0x9;
	s18 =	sand.u32 $0xFFFFF80, s22  }
0x71: {  	s23 =	rddreg [dreg:$0xf];
	s18 =	sadd.s32 s1, s18  }
0x72: {  	[tilespmem:s23], [sflag:$0x1] =	stream.linear.gather [hbm4b:s18+s2], $0x400, $0x38;
	[tilespmem:$0x12200] =	vst v63  }
0x73: {  	s24 =	rddreg [dreg:$0x10];
	s25 =	spop (v2sf);
	s18 =	sadd.s32 $0xF4280, s18  }
0x74: {  	(v2sf) =	vpush v17, $0xA;
	[tilespmem:s24], [sflag:$0x1] =	stream.linear.gather [hbm4b:s18+s2], $0x400, $0x38;
	[tilespmem:$0x12200] =	vst v63  }
0x75: {  	s18 =	sand.u32 $0xFFFFF80, s25  }
0x76: {  	s26 =	rddreg [dreg:$0x11];
	s18 =	sadd.s32 s1, s18  }
0x77: {  	[tilespmem:s26], [sflag:$0x1] =	stream.linear.gather [hbm4b:s18+s2], $0x400, $0x38;
	[tilespmem:$0x12200] =	vst v63  }
0x78: {  	s28 =	rddreg [dreg:$0x12];
	s29 =	spop (v2sf);
	s18 =	sadd.s32 $0xF4280, s18  }
0x79: {  	(v2sf) =	vpush v17, $0xB;
	[tilespmem:s28], [sflag:$0x1] =	stream.linear.gather [hbm4b:s18+s2], $0x400, $0x38;
	[tilespmem:$0x12200] =	vst v63  }
0x7a: {  	s18 =	sand.u32 $0xFFFFF80, s29  }
0x7b: {  	s30 =	rddreg [dreg:$0x13];
	s18 =	sadd.s32 s1, s18  }
0x7c: {  	[tilespmem:s30], [sflag:$0x1] =	stream.linear.gather [hbm4b:s18+s2], $0x400, $0x38;
	[tilespmem:$0x12200] =	vst v63  }
0x7d: {  	s31 =	rddreg [dreg:$0x14];
	s18 =	sadd.s32 $0xF4280, s18  }
0x7e: {  	[tilespmem:s31], [sflag:$0x1] =	stream.linear.gather [hbm4b:s18+s2], $0x400, $0x38;
	[tilespmem:$0x12200] =	vst v63  }
0x7f: {  	s19 =	spop (v2sf)  }
0x80: {  	(v2sf) =	vpush v17, $0xC;
	s18 =	sand.u32 $0xFFFFF80, s19  }
0x81: {  	s20 =	rddreg [dreg:$0x15];
	s18 =	sadd.s32 s1, s18  }
0x82: {  	[tilespmem:s20], [sflag:$0x1] =	stream.linear.gather [hbm4b:s18+s2], $0x400, $0x38;
	[tilespmem:$0x12200] =	vst v63  }
0x83: {  	s21 =	rddreg [dreg:$0x16];
	s22 =	spop (v2sf);
	s18 =	sadd.s32 $0xF4280, s18  }
0x84: {  	(v2sf) =	vpush v17, $0xD;
	[tilespmem:s21], [sflag:$0x1] =	stream.linear.gather [hbm4b:s18+s2], $0x400, $0x38;
	[tilespmem:$0x12200] =	vst v63  }
0x85: {  	s18 =	sand.u32 $0xFFFFF80, s22  }
0x86: {  	s23 =	rddreg [dreg:$0x17];
	s18 =	sadd.s32 s1, s18  }
0x87: {  	[tilespmem:s23], [sflag:$0x1] =	stream.linear.gather [hbm4b:s18+s2], $0x400, $0x38;
	[tilespmem:$0x12200] =	vst v63  }
0x88: {  	s24 =	rddreg [dreg:$0x18];
	s25 =	spop (v2sf);
	s18 =	sadd.s32 $0xF4280, s18  }
0x89: {  	(v2sf) =	vpush v17, $0xE;
	[tilespmem:s24], [sflag:$0x1] =	stream.linear.gather [hbm4b:s18+s2], $0x400, $0x38;
	[tilespmem:$0x12200] =	vst v63  }
0x8a: {  	s18 =	sand.u32 $0xFFFFF80, s25  }
0x8b: {  	s26 =	rddreg [dreg:$0x19];
	s18 =	sadd.s32 s1, s18  }
0x8c: {  	[tilespmem:s26], [sflag:$0x1] =	stream.linear.gather [hbm4b:s18+s2], $0x400, $0x38;
	[tilespmem:$0x12200] =	vst v63  }
0x8d: {  	s28 =	rddreg [dreg:$0x1a];
	s18 =	sadd.s32 $0xF4280, s18  }
0x8e: {  	[tilespmem:s28], [sflag:$0x1] =	stream.linear.gather [hbm4b:s18+s2], $0x400, $0x38;
	[tilespmem:$0x12200] =	vst v63  }
0x8f: {  	s29 =	spop (v2sf)  }
0x90: {  	(v2sf) =	vpush v17, $0xF;
	s18 =	sand.u32 $0xFFFFF80, s29  }
0x91: {  	s30 =	rddreg [dreg:$0x1b];
	s18 =	sadd.s32 s1, s18  }
0x92: {  	[tilespmem:s30], [sflag:$0x1] =	stream.linear.gather [hbm4b:s18+s2], $0x400, $0x38;
	[tilespmem:$0x12200] =	vst v63  }
0x93: {  	s31 =	rddreg [dreg:$0x1c];
	s20 =	spop (v2sf);
	s18 =	sadd.s32 $0xF4280, s18  }
0x94: {  	[tilespmem:s31], [sflag:$0x1] =	stream.linear.gather [hbm4b:s18+s2], $0x400, $0x38;
	[tilespmem:$0x12200] =	vst v63  }
0x95: {  	s18 =	sand.u32 $0xFFFFF80, s20  }
0x96: {  	s21 =	rddreg [dreg:$0x1d];
	s18 =	sadd.s32 s1, s18  }
0x97: {  	[tilespmem:s21], [sflag:$0x1] =	stream.linear.gather [hbm4b:s18+s2], $0x400, $0x38;
	[tilespmem:$0x12200] =	vst v63  }
0x98: {  	s22 =	rddreg [dreg:$0x1e];
	s23 =	spop (v2sf);
	s18 =	sadd.s32 $0xF4280, s18  }
0x99: {  	[tilespmem:s22], [sflag:$0x1] =	stream.linear.gather [hbm4b:s18+s2], $0x400, $0x38;
	[tilespmem:$0x12200] =	vst v63  }
0x9a: {  	s24 =	rddreg [dreg:$0x1f];
	s18 =	sand.u32 $0xFFFFF80, s23  }
0x9b: {  	s25 =	sld [smem:$0x7DC];
	s18 =	sadd.s32 s1, s18  }
0x9c: {  	[tilespmem:s24], [sflag:$0x1] =	stream.linear.gather [hbm4b:s18+s2], $0x400, $0x38;
	[tilespmem:$0x12200] =	vst v63  }
0x9d: {  	s18 =	sadd.s32 $0xF4280, s18  }
0x9e: {  	[tilespmem:s25], [sflag:$0x1] =	stream.linear.gather [hbm4b:s18+s2], $0x400, $0x38;
	[tilespmem:$0x12200] =	vst v63  }
0x9f: {  	s28 =	sld [smem:$0x7DD];
	s26 =	spop (v2sf)  }
0xa0: {  	s18 =	sand.u32 $0xFFFFF80, s26  }
0xa1: {  	s29 =	sld [smem:$0x7DE];
	s18 =	sadd.s32 s1, s18  }
0xa2: {  	[tilespmem:s28], [sflag:$0x1] =	stream.linear.gather [hbm4b:s18+s2], $0x400, $0x38;
	[tilespmem:$0x12200] =	vst v63  }
0xa3: {  	s18 =	sadd.s32 $0xF4280, s18  }
0xa4: {  	[tilespmem:s29], [sflag:$0x1] =	stream.linear.gather [hbm4b:s18+s2], $0x400, $0x38;
	[tilespmem:$0x12200] =	vst v63  }
0xa5: {  	v18 =	vld [tilespmem:s16+$0x0];
	_ =	sdelay $0x4  }
0xa6: {  	(v2sf) =	vpush v18, $0x0;
	_ =	sdelay $0x3  }
0xa7: {  	(v2sf) =	vpush v18, $0x1;
	_ =	sdelay $0x4  }
0xa8: {  	(v2sf) =	vpush v18, $0x2;
	_ =	sdelay $0x5  }
0xa9: {  	s30 =	spop (v2sf)  }
0xaa: {  	(v2sf) =	vpush v18, $0x3;
	s18 =	sand.u32 $0xFFFFF80, s30  }
0xab: {  	s31 =	sld [smem:$0x7DF];
	s18 =	sadd.s32 s1, s18  }
0xac: {  	[tilespmem:s9], [sflag:$0x2] =	stream.linear.gather [hbm4b:s18+s2], $0x400, $0x38;
	[tilespmem:$0x12200] =	vst v63  }
0xad: {  	s20 =	sld [smem:$0x7E0];
	s19 =	spop (v2sf);
	s18 =	sadd.s32 $0xF4280, s18  }
0xae: {  	(v2sf) =	vpush v18, $0x4;
	[tilespmem:s31], [sflag:$0x2] =	stream.linear.gather [hbm4b:s18+s2], $0x400, $0x38;
	[tilespmem:$0x12200] =	vst v63  }
0xaf: {  	s18 =	sand.u32 $0xFFFFF80, s19  }
0xb0: {  	s21 =	sld [smem:$0x7E1];
	s18 =	sadd.s32 s1, s18  }
0xb1: {  	[tilespmem:s20], [sflag:$0x2] =	stream.linear.gather [hbm4b:s18+s2], $0x400, $0x38;
	[tilespmem:$0x12200] =	vst v63  }
0xb2: {  	s23 =	sld [smem:$0x7E2];
	s22 =	spop (v2sf);
	s18 =	sadd.s32 $0xF4280, s18  }
0xb3: {  	(v2sf) =	vpush v18, $0x5;
	[tilespmem:s21], [sflag:$0x2] =	stream.linear.gather [hbm4b:s18+s2], $0x400, $0x38;
	[tilespmem:$0x12200] =	vst v63  }
0xb4: {  	s18 =	sand.u32 $0xFFFFF80, s22  }
0xb5: {  	s24 =	sld [smem:$0x7E3];
	s18 =	sadd.s32 s1, s18  }
0xb6: {  	[tilespmem:s23], [sflag:$0x2] =	stream.linear.gather [hbm4b:s18+s2], $0x400, $0x38;
	[tilespmem:$0x12200] =	vst v63  }
0xb7: {  	s18 =	sadd.s32 $0xF4280, s18  }
0xb8: {  	[tilespmem:s24], [sflag:$0x2] =	stream.linear.gather [hbm4b:s18+s2], $0x400, $0x38;
	[tilespmem:$0x12200] =	vst v63  }
0xb9: {  	s26 =	sld [smem:$0x7E4];
	s25 =	spop (v2sf)  }
0xba: {  	(v2sf) =	vpush v18, $0x6;
	s18 =	sand.u32 $0xFFFFF80, s25  }
0xbb: {  	s28 =	sld [smem:$0x7E5];
	s18 =	sadd.s32 s1, s18  }
0xbc: {  	[tilespmem:s26], [sflag:$0x2] =	stream.linear.gather [hbm4b:s18+s2], $0x400, $0x38;
	[tilespmem:$0x12200] =	vst v63  }
0xbd: {  	s30 =	sld [smem:$0x7E6];
	s29 =	spop (v2sf);
	s18 =	sadd.s32 $0xF4280, s18  }
0xbe: {  	(v2sf) =	vpush v18, $0x7;
	[tilespmem:s28], [sflag:$0x2] =	stream.linear.gather [hbm4b:s18+s2], $0x400, $0x38;
	[tilespmem:$0x12200] =	vst v63  }
0xbf: {  	s18 =	sand.u32 $0xFFFFF80, s29  }
0xc0: {  	s31 =	sld [smem:$0x7E7];
	s18 =	sadd.s32 s1, s18  }
0xc1: {  	[tilespmem:s30], [sflag:$0x2] =	stream.linear.gather [hbm4b:s18+s2], $0x400, $0x38;
	[tilespmem:$0x12200] =	vst v63  }
0xc2: {  	s20 =	sld [smem:$0x7E8];
	s19 =	spop (v2sf);
	s18 =	sadd.s32 $0xF4280, s18  }
0xc3: {  	(v2sf) =	vpush v18, $0x8;
	[tilespmem:s31], [sflag:$0x2] =	stream.linear.gather [hbm4b:s18+s2], $0x400, $0x38;
	[tilespmem:$0x12200] =	vst v63  }
0xc4: {  	s18 =	sand.u32 $0xFFFFF80, s19  }
0xc5: {  	s21 =	sld [smem:$0x7E9];
	s18 =	sadd.s32 s1, s18  }
0xc6: {  	[tilespmem:s20], [sflag:$0x2] =	stream.linear.gather [hbm4b:s18+s2], $0x400, $0x38;
	[tilespmem:$0x12200] =	vst v63  }
0xc7: {  	s18 =	sadd.s32 $0xF4280, s18  }
0xc8: {  	[tilespmem:s21], [sflag:$0x2] =	stream.linear.gather [hbm4b:s18+s2], $0x400, $0x38;
	[tilespmem:$0x12200] =	vst v63  }
0xc9: {  	s23 =	sld [smem:$0x7EA];
	s22 =	spop (v2sf)  }
0xca: {  	(v2sf) =	vpush v18, $0x9;
	s18 =	sand.u32 $0xFFFFF80, s22  }
0xcb: {  	s24 =	sld [smem:$0x7EB];
	s18 =	sadd.s32 s1, s18  }
0xcc: {  	[tilespmem:s23], [sflag:$0x2] =	stream.linear.gather [hbm4b:s18+s2], $0x400, $0x38;
	[tilespmem:$0x12200] =	vst v63  }
0xcd: {  	s26 =	sld [smem:$0x7EC];
	s25 =	spop (v2sf);
	s18 =	sadd.s32 $0xF4280, s18  }
0xce: {  	(v2sf) =	vpush v18, $0xA;
	[tilespmem:s24], [sflag:$0x2] =	stream.linear.gather [hbm4b:s18+s2], $0x400, $0x38;
	[tilespmem:$0x12200] =	vst v63  }
0xcf: {  	s18 =	sand.u32 $0xFFFFF80, s25  }
0xd0: {  	s28 =	sld [smem:$0x7ED];
	s18 =	sadd.s32 s1, s18  }
0xd1: {  	[tilespmem:s26], [sflag:$0x2] =	stream.linear.gather [hbm4b:s18+s2], $0x400, $0x38;
	[tilespmem:$0x12200] =	vst v63  }
0xd2: {  	s30 =	sld [smem:$0x7EE];
	s29 =	spop (v2sf);
	s18 =	sadd.s32 $0xF4280, s18  }
0xd3: {  	(v2sf) =	vpush v18, $0xB;
	[tilespmem:s28], [sflag:$0x2] =	stream.linear.gather [hbm4b:s18+s2], $0x400, $0x38;
	[tilespmem:$0x12200] =	vst v63  }
0xd4: {  	s18 =	sand.u32 $0xFFFFF80, s29  }
0xd5: {  	s31 =	sld [smem:$0x7EF];
	s18 =	sadd.s32 s1, s18  }
0xd6: {  	[tilespmem:s30], [sflag:$0x2] =	stream.linear.gather [hbm4b:s18+s2], $0x400, $0x38;
	[tilespmem:$0x12200] =	vst v63  }
0xd7: {  	s18 =	sadd.s32 $0xF4280, s18  }
0xd8: {  	[tilespmem:s31], [sflag:$0x2] =	stream.linear.gather [hbm4b:s18+s2], $0x400, $0x38;
	[tilespmem:$0x12200] =	vst v63  }
0xd9: {  	s20 =	sld [smem:$0x7F0];
	s19 =	spop (v2sf)  }
0xda: {  	(v2sf) =	vpush v18, $0xC;
	s18 =	sand.u32 $0xFFFFF80, s19  }
0xdb: {  	s21 =	sld [smem:$0x7F1];
	s18 =	sadd.s32 s1, s18  }
0xdc: {  	[tilespmem:s20], [sflag:$0x2] =	stream.linear.gather [hbm4b:s18+s2], $0x400, $0x38;
	[tilespmem:$0x12200] =	vst v63  }
0xdd: {  	s23 =	sld [smem:$0x7F2];
	s22 =	spop (v2sf);
	s18 =	sadd.s32 $0xF4280, s18  }
0xde: {  	(v2sf) =	vpush v18, $0xD;
	[tilespmem:s21], [sflag:$0x2] =	stream.linear.gather [hbm4b:s18+s2], $0x400, $0x38;
	[tilespmem:$0x12200] =	vst v63  }
0xdf: {  	s18 =	sand.u32 $0xFFFFF80, s22  }
0xe0: {  	s24 =	sld [smem:$0x7F3];
	s18 =	sadd.s32 s1, s18  }
0xe1: {  	[tilespmem:s23], [sflag:$0x2] =	stream.linear.gather [hbm4b:s18+s2], $0x400, $0x38;
	[tilespmem:$0x12200] =	vst v63  }
0xe2: {  	s26 =	sld [smem:$0x7F4];
	s25 =	spop (v2sf);
	s18 =	sadd.s32 $0xF4280, s18  }
0xe3: {  	(v2sf) =	vpush v18, $0xE;
	[tilespmem:s24], [sflag:$0x2] =	stream.linear.gather [hbm4b:s18+s2], $0x400, $0x38;
	[tilespmem:$0x12200] =	vst v63  }
0xe4: {  	s18 =	sand.u32 $0xFFFFF80, s25  }
0xe5: {  	s28 =	sld [smem:$0x7F5];
	s18 =	sadd.s32 s1, s18  }
0xe6: {  	[tilespmem:s26], [sflag:$0x2] =	stream.linear.gather [hbm4b:s18+s2], $0x400, $0x38;
	[tilespmem:$0x12200] =	vst v63  }
0xe7: {  	s18 =	sadd.s32 $0xF4280, s18  }
0xe8: {  	[tilespmem:s28], [sflag:$0x2] =	stream.linear.gather [hbm4b:s18+s2], $0x400, $0x38;
	[tilespmem:$0x12200] =	vst v63  }
0xe9: {  	s30 =	sld [smem:$0x7F6];
	s29 =	spop (v2sf)  }
0xea: {  	(v2sf) =	vpush v18, $0xF;
	s18 =	sand.u32 $0xFFFFF80, s29  }
0xeb: {  	s31 =	sld [smem:$0x7F7];
	s18 =	sadd.s32 s1, s18  }
0xec: {  	[tilespmem:s30], [sflag:$0x2] =	stream.linear.gather [hbm4b:s18+s2], $0x400, $0x38;
	[tilespmem:$0x12200] =	vst v63  }
0xed: {  	s22 =	sld [smem:$0x7F8];
	s21 =	spop (v2sf);
	s18 =	sadd.s32 $0xF4280, s18  }
0xee: {  	[tilespmem:s31], [sflag:$0x2] =	stream.linear.gather [hbm4b:s18+s2], $0x400, $0x38;
	[tilespmem:$0x12200] =	vst v63  }
0xef: {  	s18 =	sand.u32 $0xFFFFF80, s21  }
0xf0: {  	s23 =	sld [smem:$0x7F9];
	s18 =	sadd.s32 s1, s18  }
0xf1: {  	[tilespmem:s22], [sflag:$0x2] =	stream.linear.gather [hbm4b:s18+s2], $0x400, $0x38;
	[tilespmem:$0x12200] =	vst v63  }
0xf2: {  	s25 =	sld [smem:$0x7FA];
	s24 =	spop (v2sf);
	s18 =	sadd.s32 $0xF4280, s18  }
0xf3: {  	[tilespmem:s23], [sflag:$0x2] =	stream.linear.gather [hbm4b:s18+s2], $0x400, $0x38;
	[tilespmem:$0x12200] =	vst v63  }
0xf4: {  	s18 =	sand.u32 $0xFFFFF80, s24  }
0xf5: {  	s26 =	sld [smem:$0x7FB];
	s18 =	sadd.s32 s1, s18  }
0xf6: {  	[tilespmem:s25], [sflag:$0x2] =	stream.linear.gather [hbm4b:s18+s2], $0x400, $0x38;
	[tilespmem:$0x12200] =	vst v63  }
0xf7: {  	s18 =	sadd.s32 $0xF4280, s18  }
0xf8: {  	[tilespmem:s26], [sflag:$0x2] =	stream.linear.gather [hbm4b:s18+s2], $0x400, $0x38;
	[tilespmem:$0x12200] =	vst v63  }
0xf9: {  	s29 =	sld [smem:$0x7FC];
	s28 =	spop (v2sf)  }
0xfa: {  	s18 =	sand.u32 $0xFFFFF80, s28  }
0xfb: {  	s30 =	sld [smem:$0x7FD];
	s18 =	sadd.s32 s1, s18  }
0xfc: {  	[tilespmem:s29], [sflag:$0x2] =	stream.linear.gather [hbm4b:s18+s2], $0x400, $0x38;
	[tilespmem:$0x12200] =	vst v63  }
0xfd: {  	s18 =	sadd.s32 $0xF4280, s18  }
0xfe: {  	[tilespmem:s30], [sflag:$0x2] =	stream.linear.gather [hbm4b:s18+s2], $0x400, $0x38;
	[tilespmem:$0x12200] =	vst v63  }
0xff: {  	_ =	swait.ge [sflag:s10], $0x800  }
0x100: {  	[sflag:s10] =	ssyncset.done $0x0  }
0x101: {  	[sflag:s10] =	ssyncadd.s32 $0xFFFFF800  }
0x102: {  	_ =	swait.ge [sflag:s10], $0x800  }
0x103: {  	[sflag:s10] =	ssyncset.done $0x0  }
0x104: {  	[sflag:s10] =	ssyncadd.s32 $0xFFFFF800  }
0x105: {  	_ =	swait.ge [sflag:s10], $0x800  }
0x106: {  	[sflag:s10] =	ssyncset.done $0x0  }
0x107: {  	[sflag:s10] =	ssyncadd.s32 $0xFFFFF800  }
0x108: {  	_ =	swait.ge [sflag:s10], $0x800  }
0x109: {  	[sflag:s10] =	ssyncset.done $0x0  }
0x10a: {  	[sflag:s10] =	ssyncadd.s32 $0xFFFFF800  }
0x10b: {  	_ =	swait.ge [sflag:s10], $0x800  }
0x10c: {  	[sflag:s10] =	ssyncset.done $0x0  }
0x10d: {  	[sflag:s10] =	ssyncadd.s32 $0xFFFFF800  }
0x10e: {  	_ =	swait.ge [sflag:s10], $0x800  }
0x10f: {  	[sflag:s10] =	ssyncset.done $0x0  }
0x110: {  	[sflag:s10] =	ssyncadd.s32 $0xFFFFF800  }
0x111: {  	_ =	swait.ge [sflag:s10], $0x800  }
0x112: {  	[sflag:s10] =	ssyncset.done $0x0  }
0x113: {  	[sflag:s10] =	ssyncadd.s32 $0xFFFFF800  }
0x114: {  	_ =	swait.ge [sflag:s10], $0x800  }
0x115: {  	[sflag:s10] =	ssyncset.done $0x0  }
0x116: {  	[sflag:s10] =	ssyncadd.s32 $0xFFFFF800  }
0x117: {  	_ =	swait.ge [sflag:s10], $0x800  }
0x118: {  	[sflag:s10] =	ssyncset.done $0x0  }
0x119: {  	[sflag:s10] =	ssyncadd.s32 $0xFFFFF800  }
0x11a: {  	_ =	swait.ge [sflag:s10], $0x800  }
0x11b: {  	[sflag:s10] =	ssyncset.done $0x0  }
0x11c: {  	[sflag:s10] =	ssyncadd.s32 $0xFFFFF800  }
0x11d: {  	_ =	swait.ge [sflag:s10], $0x800  }
0x11e: {  	[sflag:s10] =	ssyncset.done $0x0  }
0x11f: {  	[sflag:s10] =	ssyncadd.s32 $0xFFFFF800  }
0x120: {  	_ =	swait.ge [sflag:s10], $0x800  }
0x121: {  	[sflag:s10] =	ssyncset.done $0x0  }
0x122: {  	[sflag:s10] =	ssyncadd.s32 $0xFFFFF800  }
0x123: {  	_ =	swait.ge [sflag:s10], $0x800  }
0x124: {  	[sflag:s10] =	ssyncset.done $0x0  }
0x125: {  	[sflag:s10] =	ssyncadd.s32 $0xFFFFF800  }
0x126: {  	_ =	swait.ge [sflag:s10], $0x800  }
0x127: {  	[sflag:s10] =	ssyncset.done $0x0  }
0x128: {  	[sflag:s10] =	ssyncadd.s32 $0xFFFFF800  }
0x129: {  	v17 =	vand.u32 $0x7F, v17;
	_ =	swait.ge [sflag:s10], $0x800  }
0x12a: {  	v19 =	vor.u32 v1, v17;
	[sflag:s10] =	ssyncset.done $0x0  }
0x12b: {  	[sflag:s10] =	ssyncadd.s32 $0xFFFFF800  }
0x12c: {  	v20 =	vmov s17;
	_ =	swait.ge [sflag:s10], $0x800  }
0x12d: {  	v21 =	vor.u32 s17, v0;
	v20 =	vshll.u32 v20, $0x3;
	[sflag:s10] =	ssyncset.done $0x0  }
0x12e: {  	v21 =	vand.u32 $0x6F, v21;
	v22 =	vand.u32 $0xC00, v20;
	[sflag:s10] =	ssyncadd.s32 $0xFFFFF800  }
0x12f: {  	v22 =	vor.u32 v21, v22;
	v19 =	vld.idx.msk [tilespmem:v19+s8+$0x0], $0xffff  }
0x130: {  	v23 =	vor.u32 v2, v17;
	_ =	sdelay $0x3  }
0x131: {  	[tilespmem:v22+s11+$0x0] =	vst.idx.msk $0xffff, v19  }
0x132: {  	v55 =	vor.u32 $0x80, v22;
	v19 =	vld.idx.msk [tilespmem:v23+s8+$0x0], $0xffff  }
0x133: {  	v24 =	vor.u32 v3, v17;
	_ =	sdelay $0x3  }
0x134: {  	[tilespmem:v55+s11+$0x0] =	vst.idx.msk $0xffff, v19  }
0x135: {  	v56 =	vor.u32 $0x100, v22;
	v19 =	vld.idx.msk [tilespmem:v24+s8+$0x0], $0xffff  }
0x136: {  	v57 =	vor.u32 v4, v17;
	_ =	sdelay $0x3  }
0x137: {  	[tilespmem:v56+s11+$0x0] =	vst.idx.msk $0xffff, v19  }
0x138: {  	v58 =	vor.u32 $0x180, v22;
	v19 =	vld.idx.msk [tilespmem:v57+s8+$0x0], $0xffff  }
0x139: {  	v59 =	vor.u32 v5, v17;
	_ =	sdelay $0x3  }
0x13a: {  	[tilespmem:v58+s11+$0x0] =	vst.idx.msk $0xffff, v19  }
0x13b: {  	v60 =	vor.u32 $0x200, v22;
	v19 =	vld.idx.msk [tilespmem:v59+s8+$0x0], $0xffff  }
0x13c: {  	v61 =	vor.u32 v6, v17;
	_ =	sdelay $0x3  }
0x13d: {  	[tilespmem:v60+s11+$0x0] =	vst.idx.msk $0xffff, v19  }
0x13e: {  	v62 =	vor.u32 $0x280, v22;
	v19 =	vld.idx.msk [tilespmem:v61+s8+$0x0], $0xffff  }
0x13f: {  	v63 =	vor.u32 v7, v17;
	_ =	sdelay $0x3  }
0x140: {  	[tilespmem:v62+s11+$0x0] =	vst.idx.msk $0xffff, v19;
	v19 =	vor.u32 v20, v21  }
0x141: {  	v25 =	vld.idx.msk [tilespmem:v63+s8+$0x0], $0xffff;
	v21 =	vor.u32 $0x300, v19  }
0x142: {  	v26 =	vor.u32 v8, v17;
	_ =	sdelay $0x3  }
0x143: {  	[tilespmem:v21+s11+$0x0] =	vst.idx.msk $0xffff, v25  }
0x144: {  	v27 =	vor.u32 $0x380, v19;
	v20 =	vld.idx.msk [tilespmem:v26+s8+$0x0], $0xffff  }
0x145: {  	v28 =	vor.u32 v9, v17;
	_ =	sdelay $0x3  }
0x146: {  	[tilespmem:v27+s11+$0x0] =	vst.idx.msk $0xffff, v20  }
0x147: {  	v29 =	vor.u32 $0x1000, v22;
	v20 =	vld.idx.msk [tilespmem:v28+s8+$0x0], $0xffff  }
0x148: {  	v30 =	vor.u32 v10, v17;
	_ =	sdelay $0x3  }
0x149: {  	[tilespmem:v29+s11+$0x0] =	vst.idx.msk $0xffff, v20  }
0x14a: {  	v31 =	vor.u32 $0x1080, v22;
	v20 =	vld.idx.msk [tilespmem:v30+s8+$0x0], $0xffff  }
0x14b: {  	v32 =	vor.u32 v11, v17;
	_ =	sdelay $0x3  }
0x14c: {  	[tilespmem:v31+s11+$0x0] =	vst.idx.msk $0xffff, v20  }
0x14d: {  	v33 =	vor.u32 $0x1100, v22;
	v20 =	vld.idx.msk [tilespmem:v32+s8+$0x0], $0xffff  }
0x14e: {  	v34 =	vor.u32 v12, v17;
	_ =	sdelay $0x3  }
0x14f: {  	[tilespmem:v33+s11+$0x0] =	vst.idx.msk $0xffff, v20  }
0x150: {  	v35 =	vor.u32 $0x1180, v22;
	v20 =	vld.idx.msk [tilespmem:v34+s8+$0x0], $0xffff  }
0x151: {  	v36 =	vor.u32 v13, v17;
	_ =	sdelay $0x3  }
0x152: {  	[tilespmem:v35+s11+$0x0] =	vst.idx.msk $0xffff, v20  }
0x153: {  	v37 =	vor.u32 $0x1200, v22;
	v20 =	vld.idx.msk [tilespmem:v36+s8+$0x0], $0xffff  }
0x154: {  	v38 =	vor.u32 v14, v17;
	_ =	sdelay $0x3  }
0x155: {  	[tilespmem:v37+s11+$0x0] =	vst.idx.msk $0xffff, v20  }
0x156: {  	v39 =	vor.u32 $0x1280, v22;
	v20 =	vld.idx.msk [tilespmem:v38+s8+$0x0], $0xffff  }
0x157: {  	v40 =	vor.u32 v15, v17;
	_ =	sdelay $0x3  }
0x158: {  	[tilespmem:v39+s11+$0x0] =	vst.idx.msk $0xffff, v20  }
0x159: {  	v41 =	vor.u32 $0x1300, v19;
	v20 =	vld.idx.msk [tilespmem:v40+s8+$0x0], $0xffff  }
0x15a: {  	v17 =	vor.u32 v16, v17;
	_ =	sdelay $0x3  }
0x15b: {  	[tilespmem:v41+s11+$0x0] =	vst.idx.msk $0xffff, v20  }
0x15c: {  	v19 =	vor.u32 $0x1380, v19;
	v17 =	vld.idx.msk [tilespmem:v17+s8+$0x0], $0xffff;
	_ =	sdelay $0x4  }
0x15d: {  	[tilespmem:v19+s11+$0x0] =	vst.idx.msk $0xffff, v17  }
0x15e: {  	_ =	swait.ge [sflag:s12], $0x800  }
0x15f: {  	[sflag:s12] =	ssyncset.done $0x0  }
0x160: {  	[sflag:s12] =	ssyncadd.s32 $0xFFFFF800  }
0x161: {  	_ =	swait.ge [sflag:s12], $0x800  }
0x162: {  	[sflag:s12] =	ssyncset.done $0x0  }
0x163: {  	[sflag:s12] =	ssyncadd.s32 $0xFFFFF800  }
0x164: {  	_ =	swait.ge [sflag:s12], $0x800  }
0x165: {  	[sflag:s12] =	ssyncset.done $0x0  }
0x166: {  	[sflag:s12] =	ssyncadd.s32 $0xFFFFF800  }
0x167: {  	_ =	swait.ge [sflag:s12], $0x800  }
0x168: {  	[sflag:s12] =	ssyncset.done $0x0  }
0x169: {  	[sflag:s12] =	ssyncadd.s32 $0xFFFFF800  }
0x16a: {  	_ =	swait.ge [sflag:s12], $0x800  }
0x16b: {  	[sflag:s12] =	ssyncset.done $0x0  }
0x16c: {  	[sflag:s12] =	ssyncadd.s32 $0xFFFFF800  }
0x16d: {  	_ =	swait.ge [sflag:s12], $0x800  }
0x16e: {  	[sflag:s12] =	ssyncset.done $0x0  }
0x16f: {  	[sflag:s12] =	ssyncadd.s32 $0xFFFFF800  }
0x170: {  	_ =	swait.ge [sflag:s12], $0x800  }
0x171: {  	[sflag:s12] =	ssyncset.done $0x0  }
0x172: {  	[sflag:s12] =	ssyncadd.s32 $0xFFFFF800  }
0x173: {  	_ =	swait.ge [sflag:s12], $0x800  }
0x174: {  	[sflag:s12] =	ssyncset.done $0x0  }
0x175: {  	[sflag:s12] =	ssyncadd.s32 $0xFFFFF800  }
0x176: {  	_ =	swait.ge [sflag:s12], $0x800  }
0x177: {  	[sflag:s12] =	ssyncset.done $0x0  }
0x178: {  	[sflag:s12] =	ssyncadd.s32 $0xFFFFF800  }
0x179: {  	_ =	swait.ge [sflag:s12], $0x800  }
0x17a: {  	[sflag:s12] =	ssyncset.done $0x0  }
0x17b: {  	[sflag:s12] =	ssyncadd.s32 $0xFFFFF800  }
0x17c: {  	_ =	swait.ge [sflag:s12], $0x800  }
0x17d: {  	[sflag:s12] =	ssyncset.done $0x0  }
0x17e: {  	[sflag:s12] =	ssyncadd.s32 $0xFFFFF800  }
0x17f: {  	_ =	swait.ge [sflag:s12], $0x800  }
0x180: {  	[sflag:s12] =	ssyncset.done $0x0  }
0x181: {  	[sflag:s12] =	ssyncadd.s32 $0xFFFFF800  }
0x182: {  	_ =	swait.ge [sflag:s12], $0x800  }
0x183: {  	[sflag:s12] =	ssyncset.done $0x0  }
0x184: {  	[sflag:s12] =	ssyncadd.s32 $0xFFFFF800  }
0x185: {  	_ =	swait.ge [sflag:s12], $0x800  }
0x186: {  	[sflag:s12] =	ssyncset.done $0x0  }
0x187: {  	[sflag:s12] =	ssyncadd.s32 $0xFFFFF800  }
0x188: {  	v17 =	vand.u32 $0x7F, v18;
	_ =	swait.ge [sflag:s12], $0x800  }
0x189: {  	v18 =	vor.u32 v1, v17;
	[sflag:s12] =	ssyncset.done $0x0  }
0x18a: {  	s31 =	sadd.s32 $0x10, s17;
	[sflag:s12] =	ssyncadd.s32 $0xFFFFF800  }
0x18b: {  	v19 =	vmov s31;
	_ =	swait.ge [sflag:s12], $0x800  }
0x18c: {  	v42 =	vor.u32 s31, v0;
	v19 =	vshll.u32 v19, $0x3;
	[sflag:s12] =	ssyncset.done $0x0  }
0x18d: {  	v20 =	vand.u32 $0x7F, v42;
	v43 =	vand.u32 $0xC00, v19;
	[sflag:s12] =	ssyncadd.s32 $0xFFFFF800  }
0x18e: {  	v21 =	vor.u32 v20, v43;
	v18 =	vld.idx.msk [tilespmem:v18+s9+$0x0], $0xffff  }
0x18f: {  	v44 =	vor.u32 v2, v17;
	_ =	sdelay $0x3  }
0x190: {  	[tilespmem:v21+s11+$0x0] =	vst.idx.msk $0xffff, v18  }
0x191: {  	v45 =	vor.u32 $0x80, v21;
	v18 =	vld.idx.msk [tilespmem:v44+s9+$0x0], $0xffff  }
0x192: {  	v46 =	vor.u32 v3, v17;
	_ =	sdelay $0x3  }
0x193: {  	[tilespmem:v45+s11+$0x0] =	vst.idx.msk $0xffff, v18  }
0x194: {  	v47 =	vor.u32 $0x100, v21;
	v18 =	vld.idx.msk [tilespmem:v46+s9+$0x0], $0xffff  }
0x195: {  	v48 =	vor.u32 v4, v17;
	_ =	sdelay $0x3  }
0x196: {  	[tilespmem:v47+s11+$0x0] =	vst.idx.msk $0xffff, v18  }
0x197: {  	v49 =	vor.u32 $0x180, v21;
	v18 =	vld.idx.msk [tilespmem:v48+s9+$0x0], $0xffff  }
0x198: {  	v50 =	vor.u32 v5, v17;
	_ =	sdelay $0x3  }
0x199: {  	[tilespmem:v49+s11+$0x0] =	vst.idx.msk $0xffff, v18  }
0x19a: {  	v51 =	vor.u32 $0x200, v21;
	v18 =	vld.idx.msk [tilespmem:v50+s9+$0x0], $0xffff  }
0x19b: {  	v52 =	vor.u32 v6, v17;
	_ =	sdelay $0x3  }
0x19c: {  	[tilespmem:v51+s11+$0x0] =	vst.idx.msk $0xffff, v18  }
0x19d: {  	v53 =	vor.u32 $0x280, v21;
	v18 =	vld.idx.msk [tilespmem:v52+s9+$0x0], $0xffff  }
0x19e: {  	v54 =	vor.u32 v7, v17;
	_ =	sdelay $0x3  }
0x19f: {  	[tilespmem:v53+s11+$0x0] =	vst.idx.msk $0xffff, v18  }
0x1a0: {  	v55 =	vor.u32 $0x300, v21;
	v18 =	vld.idx.msk [tilespmem:v54+s9+$0x0], $0xffff  }
0x1a1: {  	v56 =	vor.u32 v8, v17;
	_ =	sdelay $0x3  }
0x1a2: {  	[tilespmem:v55+s11+$0x0] =	vst.idx.msk $0xffff, v18;
	v18 =	vor.u32 v20, v19  }
0x1a3: {  	v19 =	vld.idx.msk [tilespmem:v56+s9+$0x0], $0xffff;
	v18 =	vor.u32 $0x380, v18  }
0x1a4: {  	v57 =	vor.u32 v9, v17;
	_ =	sdelay $0x3  }
0x1a5: {  	[tilespmem:v18+s11+$0x0] =	vst.idx.msk $0xffff, v19  }
0x1a6: {  	v19 =	vor.u32 $0x1000, v21;
	v18 =	vld.idx.msk [tilespmem:v57+s9+$0x0], $0xffff  }
0x1a7: {  	v58 =	vor.u32 v10, v17;
	_ =	sdelay $0x3  }
0x1a8: {  	[tilespmem:v19+s11+$0x0] =	vst.idx.msk $0xffff, v18  }
0x1a9: {  	v19 =	vor.u32 $0x1080, v21;
	v18 =	vld.idx.msk [tilespmem:v58+s9+$0x0], $0xffff  }
0x1aa: {  	v59 =	vor.u32 v11, v17;
	_ =	sdelay $0x3  }
0x1ab: {  	[tilespmem:v19+s11+$0x0] =	vst.idx.msk $0xffff, v18  }
0x1ac: {  	v19 =	vor.u32 $0x1100, v21;
	v18 =	vld.idx.msk [tilespmem:v59+s9+$0x0], $0xffff  }
0x1ad: {  	v60 =	vor.u32 v12, v17;
	_ =	sdelay $0x3  }
0x1ae: {  	[tilespmem:v19+s11+$0x0] =	vst.idx.msk $0xffff, v18  }
0x1af: {  	v19 =	vor.u32 $0x1180, v21;
	v18 =	vld.idx.msk [tilespmem:v60+s9+$0x0], $0xffff  }
0x1b0: {  	v61 =	vor.u32 v13, v17;
	_ =	sdelay $0x3  }
0x1b1: {  	[tilespmem:v19+s11+$0x0] =	vst.idx.msk $0xffff, v18  }
0x1b2: {  	v19 =	vor.u32 $0x1200, v21;
	v18 =	vld.idx.msk [tilespmem:v61+s9+$0x0], $0xffff  }
0x1b3: {  	v62 =	vor.u32 v14, v17;
	_ =	sdelay $0x3  }
0x1b4: {  	[tilespmem:v19+s11+$0x0] =	vst.idx.msk $0xffff, v18  }
0x1b5: {  	v19 =	vor.u32 $0x1280, v21;
	v18 =	vld.idx.msk [tilespmem:v62+s9+$0x0], $0xffff  }
0x1b6: {  	v63 =	vor.u32 v15, v17;
	_ =	sdelay $0x3  }
0x1b7: {  	[tilespmem:v19+s11+$0x0] =	vst.idx.msk $0xffff, v18  }
0x1b8: {  	v19 =	vor.u32 $0x1300, v21;
	v18 =	vld.idx.msk [tilespmem:v63+s9+$0x0], $0xffff  }
0x1b9: {  	v17 =	vor.u32 v16, v17;
	_ =	sdelay $0x3  }
0x1ba: {  	[tilespmem:v19+s11+$0x0] =	vst.idx.msk $0xffff, v18  }
0x1bb: {  	p0 =	sne.s32 s17, $0x1E0;
	v18 =	vor.u32 $0x1380, v21;
	v17 =	vld.idx.msk [tilespmem:v17+s9+$0x0], $0xffff  }
.Ltmp0:
0x1bc: {  	_ = 	snop;
	(pc) =	sbr.rel @p0 .LBB2_2-.Ltmp0, $2  }
0x1bd: {  	_ =	sdelay $0x2  }
0x1be: {  	s16 =	sadd.s32 $0x20, s16;
	s17 =	sadd.s32 $0x20, s17;
	[tilespmem:v18+s11+$0x0] =	vst.idx.msk $0xffff, v17  }
0x1bf: {  	s15 =	sadd.s32 $0x1, s15  }
0x1c0: {  	p0 =	sne.s32 s15, s6  }
.Ltmp1:
0x1c1: {  	_ = 	snop;
	(pc) =	sbr.rel @p0 .LBB2_1-.Ltmp1, $4  }
0x1c2: {  	[hbm4b:s5+s13] =	stream.strided.scatter [tilespmem:s11], [sflag:$0x3], $0x2000, s14, s13, $0x38;
	[tilespmem:$0x12200] =	vst v63  }
0x1c3: {  	_ =	swait.ge [sflag:s7], $0x2000  }
0x1c4: {  	[sflag:s7] =	ssyncset.done $0x0  }
0x1c5: {  	[sflag:s7] =	ssyncadd.s32 $0xFFFFE000  }
0x1c6: {  	_ =	sfence.sel $0x180000  }
0x1c7: {  	[bflag:$0x0] =	sbarrier.arrive $0xFFFF  }
0x1c8: {  	p0 =	sne.s32 s3, $0x0;
	_ =	strace $0x90000047  }
0x1c9: {  	s0 =	sadd.s32 @!p0 $0x100000, s0;
	[bflag:$0x2] =	sbarrier.arrive $0xFFFF  }
0x1ca: {  	[sflag:s0] =	ssyncadd.tile.s32 @!p0 $0x1;
	_ =	shalt  }
.Lfunc_end2:
_tile_overlayer_lowered:
.L_overlay_start_2:
0x1cb: {  	(tag) =	ssettag $0x2  }
0x1cc: {  	s0 =	rddreg [dreg:$0x0];
	s2 =	stileid.u32  }
0x1cd: {  	s1 =	rddreg [dreg:$0x1];
	p0 =	sne.s32 s2, $0x0  }
0x1ce: {  	s3 =	rddreg [dreg:$0x2];
	[bflag:$0x3] =	sbarrier.arrive $0xFFFF;
	s2 =	simm.s32 @!p0 $0x1C03  }
0x1cf: {  	[timem:s3], [sflag:s2] =	dma.local @!p0 [hbm:s0], s1  }
0x1d0: {  	s0 =	simm.s32 @!p0 $0x3  }
0x1d1: {  	_ =	swait.ge @!p0 [sflag:s0], s1  }
0x1d2: {  	s1 =	ssub.s32 @!p0 $0x0, s1;
	[sflag:s0] =	ssyncset.done @!p0 $0x0  }
0x1d3: {  	[sflag:s0] =	ssyncadd.s32 @!p0 s1  }
0x1d4: {  	[bflag:$0x3] =	sbarrier.arrive $0xFFFF  }
0x1d5: {  	_ =	shalt  }

</sc_bundles>
